<compile_context>
chip_gen: v7x
topology: tpu7x:2x2x1
jax: 0.10.2.dev20260603
libtpu: 0.0.44.dev20260713+nightly
codegen_flags: <defaults>
</compile_context>

<pallas_src>
import functools

import jax
import jax.numpy as jnp
import numpy as np
from jax import lax
from jax.experimental import pallas as pl
from jax.experimental.pallas import tpu as pltpu
from jax.experimental.pallas import tpu_sc as plsc

N = 10000
E = 320000
D = 128
A = 10
R = 8
H = 64
AVG_NUM_NEIGHBORS = 32.0

NC = 2
NS = 16
NW = NC * NS
EPW = E // NW
C = 80
NCHUNK = EPW // C
NPAD = 10240
NPS = NPAD // NS

BN = 1000
BE = 2000



def _wc_body(w0, w1, w2, w3, out):
    h = jnp.dot(w0[...], w1[...], preferred_element_type=jnp.float32)
    h = jnp.dot(h, w2[...], preferred_element_type=jnp.float32)
    h = jnp.dot(h, w3[...], preferred_element_type=jnp.float32)
    out[...] = h * np.float32(1.0 / np.sqrt(R * H * H * H))


_wc_call = pl.pallas_call(
    _wc_body,
    out_shape=jax.ShapeDtypeStruct((R, D), jnp.float32),
)



def _xsc_body(nf, na, w1, wsk, x_out, sc_out):
    x = jnp.dot(nf[...], w1[...], preferred_element_type=jnp.float32)
    x = x * np.float32(1.0 / np.sqrt(D))
    x_out[...] = x
    acc = jnp.zeros((BN, D), jnp.float32)
    for v in range(A):
        acc = acc + na[:, v][:, None] * jnp.dot(
            x, wsk[v], preferred_element_type=jnp.float32)
    sc_out[...] = acc * np.float32(1.0 / np.sqrt(D * A))


_xsc_call = pl.pallas_call(
    _xsc_body,
    grid=(N // BN,),
    in_specs=[
        pl.BlockSpec((BN, D), lambda i: (i, 0)),
        pl.BlockSpec((BN, A), lambda i: (i, 0)),
        pl.BlockSpec((D, D), lambda i: (0, 0)),
        pl.BlockSpec((A, D, D), lambda i: (0, 0, 0)),
    ],
    out_specs=[
        pl.BlockSpec((BN, D), lambda i: (i, 0)),
        pl.BlockSpec((BN, D), lambda i: (i, 0)),
    ],
    out_shape=[
        jax.ShapeDtypeStruct((N, D), jnp.float32),
        jax.ShapeDtypeStruct((N, D), jnp.float32),
    ],
)



def _we_body(ef, ea, wc, out):
    out[...] = jnp.dot(ef[...] * ea[...], wc[...],
                       preferred_element_type=jnp.float32)


_we_call = pl.pallas_call(
    _we_body,
    grid=(E // BE,),
    in_specs=[
        pl.BlockSpec((BE, R), lambda i: (i, 0)),
        pl.BlockSpec((BE, 1), lambda i: (i, 0)),
        pl.BlockSpec((R, D), lambda i: (0, 0)),
    ],
    out_specs=pl.BlockSpec((BE, D), lambda i: (i, 0)),
    out_shape=jax.ShapeDtypeStruct((E, D), jnp.float32),
)



_sc_mesh = plsc.VectorSubcoreMesh(
    core_axis_name="c", subcore_axis_name="s", num_cores=NC, num_subcores=NS)


@functools.partial(
    pl.kernel,
    out_type=jax.ShapeDtypeStruct((NC * NPAD, D), jnp.float32),
    mesh=_sc_mesh,
    scratch_types=[
        pltpu.VMEM((C,), jnp.int32),
        pltpu.VMEM((C,), jnp.int32),
        pltpu.VMEM((C, D), jnp.float32),
        pltpu.VMEM((C, D), jnp.float32),
        pltpu.VMEM_SHARED((NPAD, D), jnp.float32),
        pltpu.SemaphoreType.DMA,
    ],
)
def _edge_call(x_hbm, we_hbm, send_hbm, recv_hbm, zero_hbm, out_hbm,
               sidx, ridx, rows, wrows, acc, sem):
    c = lax.axis_index("c")
    s = lax.axis_index("s")
    w = s * NC + c
    pltpu.sync_copy(zero_hbm.at[pl.ds(s * NPS, NPS)],
                    acc.at[pl.ds(s * NPS, NPS)])
    plsc.subcore_barrier()

    ebase = w * EPW

    def chunk(i, carry):
        base = ebase + i * C
        pltpu.sync_copy(send_hbm.at[pl.ds(base, C)], sidx)
        pltpu.sync_copy(recv_hbm.at[pl.ds(base, C)], ridx)
        pltpu.sync_copy(we_hbm.at[pl.ds(base, C), :], wrows)
        pltpu.async_copy(x_hbm.at[sidx], rows, sem).wait()

        def rowmul(r, rcarry):
            for j in range(D // 16):
                sl = pl.ds(j * 16, 16)
                rows[r, sl] = rows[r, sl] * wrows[r, sl]
            return rcarry

        lax.fori_loop(0, C, rowmul, 0)
        pltpu.sync_copy(rows, acc.at[ridx], add=True)
        return carry

    lax.fori_loop(0, NCHUNK, chunk, 0)
    plsc.subcore_barrier()
    pltpu.sync_copy(acc.at[pl.ds(s * NPS, NPS)],
                    out_hbm.at[pl.ds(c * NPAD + s * NPS, NPS)])



def _post_body(p0, p1, w2, out):
    m = jnp.dot(p0[...] + p1[...], w2[...], preferred_element_type=jnp.float32)
    out[...] = m * np.float32(1.0 / (np.sqrt(D) * AVG_NUM_NEIGHBORS))


_post_call = pl.pallas_call(
    _post_body,
    grid=(N // BN,),
    in_specs=[
        pl.BlockSpec((BN, D), lambda i: (i, 0)),
        pl.BlockSpec((BN, D), lambda i: (i, 0)),
        pl.BlockSpec((D, D), lambda i: (0, 0)),
    ],
    out_specs=pl.BlockSpec((BN, D), lambda i: (i, 0)),
    out_shape=jax.ShapeDtypeStruct((N, D), jnp.float32),
)


def kernel(node_attrs, node_feats, edge_attrs, edge_feats, edge_index,
           W_lin1, W_mlp0, W_mlp1, W_mlp2, W_mlp3, W_lin2, W_skip):
    sender = edge_index[0]
    receiver = edge_index[1]

    wc = _wc_call(W_mlp0, W_mlp1, W_mlp2, W_mlp3)
    wt = jnp.transpose(W_skip, (1, 0, 2))
    x, sc = _xsc_call(node_feats, node_attrs, W_lin1, wt)
    we = _we_call(edge_feats, edge_attrs, wc)

    zeros = jnp.zeros((NPAD, D), jnp.float32)
    partials = _edge_call(x, we, sender, receiver, zeros)
    message = _post_call(partials[:N], partials[NPAD:NPAD + N], W_lin2)
    return message.reshape(N, D, 1), sc

# --- scband reference (transcript-rebuilt; emitter-appended) ---
"""Pipeline reference for scband-residual-interaction-block-12249246728954 (READ-ONLY COPY).

The authoritative reference and input builder live on the scoring server;
editing this copy changes nothing except your own understanding.
"""

import jax, jax.numpy as jnp
import numpy as np

N = 10000   # nodes
E = 320000  # edges
D = 128     # node feature multiplicity (128x0e)
A = 10      # node attr dim (10x0e one-hot species)
R = 8       # edge radial feature dim (8x0e)
H = 64      # radial MLP hidden width
AVG_NUM_NEIGHBORS = 32.0


def setup_inputs(seed: int = 0) -> dict:
    key = jax.random.key(seed)
    ks = jax.random.split(key, 12)
    node_attrs = jax.random.normal(ks[0], (N, A), dtype=jnp.float32)
    node_feats = jax.random.normal(ks[1], (N, D), dtype=jnp.float32)
    edge_attrs = jax.random.normal(ks[2], (E, 1), dtype=jnp.float32)
    edge_feats = jax.random.normal(ks[3], (E, R), dtype=jnp.float32)
    edge_index = jax.random.randint(ks[4], (2, E), 0, N, dtype=jnp.int32)
    # learned parameters (e3nn internal weights are standard normal at init)
    W_lin1 = jax.random.normal(ks[5], (D, D), dtype=jnp.float32)   # o3.Linear 128x0e->128x0e
    W_mlp0 = jax.random.normal(ks[6], (R, H), dtype=jnp.float32)   # FullyConnectedNet [8,64,64,64,weight_numel]
    W_mlp1 = jax.random.normal(ks[7], (H, H), dtype=jnp.float32)
    W_mlp2 = jax.random.normal(ks[8], (H, H), dtype=jnp.float32)
    W_mlp3 = jax.random.normal(ks[9], (H, D), dtype=jnp.float32)   # conv_tp.weight_numel = 128 (uvu path, scalars)
    W_lin2 = jax.random.normal(ks[10], (D, D), dtype=jnp.float32)  # o3.Linear irreps_mid->target
    W_skip = jax.random.normal(ks[11], (D, A, D), dtype=jnp.float32)  # FullyConnectedTensorProduct
    return {
        'node_attrs': node_attrs, 'node_feats': node_feats,
        'edge_attrs': edge_attrs, 'edge_feats': edge_feats,
        'edge_index': edge_index,
        'W_lin1': W_lin1, 'W_mlp0': W_mlp0, 'W_mlp1': W_mlp1,
        'W_mlp2': W_mlp2, 'W_mlp3': W_mlp3, 'W_lin2': W_lin2,
        'W_skip': W_skip,
    }


def reference(node_attrs, node_feats, edge_attrs, edge_feats, edge_index,
              W_lin1, W_mlp0, W_mlp1, W_mlp2, W_mlp3, W_lin2, W_skip):
    sender = edge_index[0]
    receiver = edge_index[1]
    num_nodes = node_feats.shape[0]

    # linear1: o3.Linear on 128x0e (path-normalized by 1/sqrt(fan_in))
    x = node_feats @ (W_lin1 / np.sqrt(D))

    # conv_tp_weights: e3nn FullyConnectedNet with Identity activation:
    # each layer is h = h @ (W / sqrt(h_in)), no bias
    h = edge_feats
    h = h @ (W_mlp0 / np.sqrt(R))
    h = h @ (W_mlp1 / np.sqrt(H))
    h = h @ (W_mlp2 / np.sqrt(H))
    tp_weights = h @ (W_mlp3 / np.sqrt(H))  # [E, 128] per-edge TP weights

    # conv_tp: TensorProduct 128x0e x 1x0e -> 128x0e, single 'uvu' weighted path.
    # For scalar irreps this is elementwise: mji[e,u] = x[sender[e],u] * edge_attrs[e,0] * w[e,u]
    mji = x[sender] * edge_attrs * tp_weights  # gather over sender (SparseCore gather)

    # scatter_sum over receiver (SparseCore scatter-add)
    message = jnp.zeros((num_nodes, D), dtype=mji.dtype).at[receiver].add(mji)

    # linear: irreps_mid -> target, then / avg_num_neighbors
    message = (message @ (W_lin2 / np.sqrt(D))) / AVG_NUM_NEIGHBORS

    # skip_tp: FullyConnectedTensorProduct(128x0e, 10x0e -> 128x0e), fan = D*A
    sc = jnp.einsum('nu,nv,uvk->nk', x, node_attrs, W_skip) / np.sqrt(D * A)

    # reshape_irreps(128x0e): [N,128] -> [N, mul=128, ir.dim=1]
    return message.reshape(num_nodes, D, 1), sc

if __name__ == "__main__":
    import jax
    _d = setup_inputs()
    print(jax.jit(kernel)(*tuple(_d.values())))

</pallas_src>

<mosaic_0001>
#map = affine_map<(d0, d1) -> (0, 0)>
#map1 = affine_map<(d0, d1) -> (0)>
module attributes {stable_mosaic.version = 14 : i64} {
  func.func @_edge_call(%arg0: i32, %arg1: i32, %arg2: memref<10000x128xf32, #tpu.memory_space<hbm>>, %arg3: memref<320000x128xf32, #tpu.memory_space<hbm>>, %arg4: memref<320000xi32, #tpu.memory_space<hbm>>, %arg5: memref<320000xi32, #tpu.memory_space<hbm>>, %arg6: memref<10240x128xf32, #tpu.memory_space<hbm>>, %arg7: memref<20480x128xf32, #tpu.memory_space<hbm>>, %arg8: memref<80xi32, #tpu.memory_space<vmem>>, %arg9: memref<80xi32, #tpu.memory_space<vmem>>, %arg10: memref<80x128xf32, #tpu.memory_space<vmem>>, %arg11: memref<80x128xf32, #tpu.memory_space<vmem>>, %arg12: memref<10240x128xf32, #tpu.memory_space<vmem_shared>>, %arg13: memref<!tpu.dma_semaphore, #tpu.memory_space<semaphore_mem>>) attributes {dimension_semantics = [#tpu.dimension_semantics<core_parallel>, #tpu.dimension_semantics<subcore_parallel>], iteration_bounds = array<i64: 2, 16>, scalar_prefetch = 0 : i64, scratch_operands = 6 : i64, tpu.core_type = #tpu.core_type<sc_vector_subcore>, window_params = [{transform_indices = #map}, {transform_indices = #map}, {transform_indices = #map1}, {transform_indices = #map1}, {transform_indices = #map}, {transform_indices = #map}]} {
    %mul3A = arith.constant 2 : i32
    %mul3A_0 = arith.muli %arg1, %mul3A : i32
    %add3A = arith.addi %mul3A_0, %arg0 : i32
    %mul3A_1 = arith.constant 640 : i32
    %mul3A_2 = arith.muli %arg1, %mul3A_1 : i32
    %mul3A_3 = arith.constant 640 : i32
    %mul3A_4 = arith.muli %arg1, %mul3A_3 : i32
    "tpu.region"() ({
      %run_scoped3A = tpu.sem_alloc : memref<!tpu.dma_semaphore, #tpu.memory_space<semaphore_mem>>
      %dma_start3A = arith.constant 0 : i32
      %dma_start3A_20 = tpu.memref_slice %arg12[%mul3A_4, %dma_start3A] : memref<10240x128xf32, #tpu.memory_space<vmem_shared>> -> memref<640x128xf32, #tpu.memory_space<vmem_shared>>
      %dma_start3A_21 = arith.constant 0 : i32
      %dma_start3A_22 = tpu.memref_slice %arg6[%mul3A_2, %dma_start3A_21] : memref<10240x128xf32, #tpu.memory_space<hbm>> -> memref<640x128xf32, #tpu.memory_space<hbm>>
      tpu.enqueue_dma source(%dma_start3A_22 : memref<640x128xf32, #tpu.memory_space<hbm>>) target(%dma_start3A_20 : memref<640x128xf32, #tpu.memory_space<vmem_shared>>) target_semaphore(%run_scoped3A : memref<!tpu.dma_semaphore, #tpu.memory_space<semaphore_mem>>)
      %dma_wait3A = arith.constant 0 : i32
      %dma_wait3A_23 = tpu.memref_slice %arg12[%mul3A_4, %dma_wait3A] : memref<10240x128xf32, #tpu.memory_space<vmem_shared>> -> memref<640x128xf32, #tpu.memory_space<vmem_shared>>
      %dma_wait3A_24 = arith.constant 0 : i32
      %dma_wait3A_25 = tpu.memref_slice %arg6[%mul3A_2, %dma_wait3A_24] : memref<10240x128xf32, #tpu.memory_space<hbm>> -> memref<640x128xf32, #tpu.memory_space<hbm>>
      tpu.wait_dma2 semaphore(%run_scoped3A : memref<!tpu.dma_semaphore, #tpu.memory_space<semaphore_mem>>) src(%dma_wait3A_25 : memref<640x128xf32, #tpu.memory_space<hbm>>) dst(%dma_wait3A_23 : memref<640x128xf32, #tpu.memory_space<vmem_shared>>)
      tpu.yield
    }) : () -> ()
    %barrier3A = arith.constant 0 : index
    tpu.barrier barrier_id(%barrier3A)
    %mul3A_5 = arith.constant 10000 : i32
    %mul3A_6 = arith.muli %add3A, %mul3A_5 : i32
    %scan3A = arith.constant 0 : i32
    %scan3A_7 = arith.constant 0 : i32
    %scan3A_8 = arith.constant 125 : i32
    %scan3A_9 = arith.addi %scan3A_7, %scan3A_8 : i32
    %scan3A_10 = arith.constant 1 : i32
    scf.for %scan3A_20 = %scan3A_7 to %scan3A_9 step %scan3A_10  : i32 {
      %mul3A_21 = arith.constant 80 : i32
      %mul3A_22 = arith.muli %scan3A_20, %mul3A_21 : i32
      %add3A_23 = arith.addi %mul3A_6, %mul3A_22 : i32
      "tpu.region"() ({
        %run_scoped3A = tpu.sem_alloc : memref<!tpu.dma_semaphore, #tpu.memory_space<semaphore_mem>>
        %dma_start3A_34 = tpu.memref_slice %arg4[%add3A_23] : memref<320000xi32, #tpu.memory_space<hbm>> -> memref<80xi32, #tpu.memory_space<hbm>>
        %dma_start3A_35 = tpu.memref_slice %arg4[%add3A_23] : memref<320000xi32, #tpu.memory_space<hbm>> -> memref<80xi32, #tpu.memory_space<hbm>>
        tpu.enqueue_dma source(%dma_start3A_35 : memref<80xi32, #tpu.memory_space<hbm>>) target(%arg8 : memref<80xi32, #tpu.memory_space<vmem>>) target_semaphore(%run_scoped3A : memref<!tpu.dma_semaphore, #tpu.memory_space<semaphore_mem>>)
        %dma_wait3A_36 = tpu.memref_slice %arg4[%add3A_23] : memref<320000xi32, #tpu.memory_space<hbm>> -> memref<80xi32, #tpu.memory_space<hbm>>
        %dma_wait3A_37 = tpu.memref_slice %arg4[%add3A_23] : memref<320000xi32, #tpu.memory_space<hbm>> -> memref<80xi32, #tpu.memory_space<hbm>>
        tpu.wait_dma2 semaphore(%run_scoped3A : memref<!tpu.dma_semaphore, #tpu.memory_space<semaphore_mem>>) src(%dma_wait3A_37 : memref<80xi32, #tpu.memory_space<hbm>>) dst(%arg8 : memref<80xi32, #tpu.memory_space<vmem>>)
        tpu.yield
      }) : () -> ()
      "tpu.region"() ({
        %run_scoped3A = tpu.sem_alloc : memref<!tpu.dma_semaphore, #tpu.memory_space<semaphore_mem>>
        %dma_start3A_34 = tpu.memref_slice %arg5[%add3A_23] : memref<320000xi32, #tpu.memory_space<hbm>> -> memref<80xi32, #tpu.memory_space<hbm>>
        %dma_start3A_35 = tpu.memref_slice %arg5[%add3A_23] : memref<320000xi32, #tpu.memory_space<hbm>> -> memref<80xi32, #tpu.memory_space<hbm>>
        tpu.enqueue_dma source(%dma_start3A_35 : memref<80xi32, #tpu.memory_space<hbm>>) target(%arg9 : memref<80xi32, #tpu.memory_space<vmem>>) target_semaphore(%run_scoped3A : memref<!tpu.dma_semaphore, #tpu.memory_space<semaphore_mem>>)
        %dma_wait3A_36 = tpu.memref_slice %arg5[%add3A_23] : memref<320000xi32, #tpu.memory_space<hbm>> -> memref<80xi32, #tpu.memory_space<hbm>>
        %dma_wait3A_37 = tpu.memref_slice %arg5[%add3A_23] : memref<320000xi32, #tpu.memory_space<hbm>> -> memref<80xi32, #tpu.memory_space<hbm>>
        tpu.wait_dma2 semaphore(%run_scoped3A : memref<!tpu.dma_semaphore, #tpu.memory_space<semaphore_mem>>) src(%dma_wait3A_37 : memref<80xi32, #tpu.memory_space<hbm>>) dst(%arg9 : memref<80xi32, #tpu.memory_space<vmem>>)
        tpu.yield
      }) : () -> ()
      "tpu.region"() ({
        %run_scoped3A = tpu.sem_alloc : memref<!tpu.dma_semaphore, #tpu.memory_space<semaphore_mem>>
        %dma_start3A_34 = arith.constant 0 : i32
        %dma_start3A_35 = tpu.memref_slice %arg3[%add3A_23, %dma_start3A_34] : memref<320000x128xf32, #tpu.memory_space<hbm>> -> memref<80x128xf32, #tpu.memory_space<hbm>>
        %dma_start3A_36 = arith.constant 0 : i32
        %dma_start3A_37 = tpu.memref_slice %arg3[%add3A_23, %dma_start3A_36] : memref<320000x128xf32, #tpu.memory_space<hbm>> -> memref<80x128xf32, #tpu.memory_space<hbm>>
        tpu.enqueue_dma source(%dma_start3A_37 : memref<80x128xf32, #tpu.memory_space<hbm>>) target(%arg11 : memref<80x128xf32, #tpu.memory_space<vmem>>) target_semaphore(%run_scoped3A : memref<!tpu.dma_semaphore, #tpu.memory_space<semaphore_mem>>)
        %dma_wait3A_38 = arith.constant 0 : i32
        %dma_wait3A_39 = tpu.memref_slice %arg3[%add3A_23, %dma_wait3A_38] : memref<320000x128xf32, #tpu.memory_space<hbm>> -> memref<80x128xf32, #tpu.memory_space<hbm>>
        %dma_wait3A_40 = arith.constant 0 : i32
        %dma_wait3A_41 = tpu.memref_slice %arg3[%add3A_23, %dma_wait3A_40] : memref<320000x128xf32, #tpu.memory_space<hbm>> -> memref<80x128xf32, #tpu.memory_space<hbm>>
        tpu.wait_dma2 semaphore(%run_scoped3A : memref<!tpu.dma_semaphore, #tpu.memory_space<semaphore_mem>>) src(%dma_wait3A_41 : memref<80x128xf32, #tpu.memory_space<hbm>>) dst(%arg11 : memref<80x128xf32, #tpu.memory_space<vmem>>)
        tpu.yield
      }) : () -> ()
      %dma_start3A = arith.constant 0 : i32
      %dma_start3A_24 = arith.constant 0 : i32
      %dma_start3A_25 = tpu.memref_slice %arg2[%dma_start3A, %dma_start3A_24] : memref<10000x128xf32, #tpu.memory_space<hbm>> -> memref<10000x128xf32, #tpu.memory_space<hbm>>
      tpu.enqueue_indirect_dma source(%dma_start3A_25 : memref<10000x128xf32, #tpu.memory_space<hbm>>) target(%arg10 : memref<80x128xf32, #tpu.memory_space<vmem>>) offsets(%arg8 : memref<80xi32, #tpu.memory_space<vmem>>) semaphore(%arg13 : memref<!tpu.dma_semaphore, #tpu.memory_space<semaphore_mem>>)
      %dma_wait3A = arith.constant 0 : i32
      %dma_wait3A_26 = arith.constant 0 : i32
      %dma_wait3A_27 = tpu.memref_slice %arg2[%dma_wait3A, %dma_wait3A_26] : memref<10000x128xf32, #tpu.memory_space<hbm>> -> memref<10000x128xf32, #tpu.memory_space<hbm>>
      tpu.wait_indirect_dma semaphore(%arg13 : memref<!tpu.dma_semaphore, #tpu.memory_space<semaphore_mem>>) src(%dma_wait3A_27 : memref<10000x128xf32, #tpu.memory_space<hbm>>) dst(%arg10 : memref<80x128xf32, #tpu.memory_space<vmem>>)
      %scan3A_28 = arith.constant 0 : i32
      %scan3A_29 = arith.constant 0 : i32
      %scan3A_30 = arith.constant 80 : i32
      %scan3A_31 = arith.addi %scan3A_29, %scan3A_30 : i32
      %scan3A_32 = arith.constant 1 : i32
      scf.for %scan3A_34 = %scan3A_29 to %scan3A_31 step %scan3A_32  : i32 {
        %get3A = arith.index_cast %scan3A_34 : i32 to index
        %get3A_35 = arith.constant 0 : index
        %get3A_36 = tpu.vector_load %arg10[%get3A, %get3A_35] {strides = array<i32>} : memref<80x128xf32, #tpu.memory_space<vmem>>, vector<1x16xf32>,
        %get3A_37 = vector.shape_cast %get3A_36 : vector<1x16xf32> to vector<16xf32>
        %get3A_38 = arith.index_cast %scan3A_34 : i32 to index
        %get3A_39 = arith.constant 0 : index
        %get3A_40 = tpu.vector_load %arg11[%get3A_38, %get3A_39] {strides = array<i32>} : memref<80x128xf32, #tpu.memory_space<vmem>>, vector<1x16xf32>,
        %get3A_41 = vector.shape_cast %get3A_40 : vector<1x16xf32> to vector<16xf32>
        %mul3A_42 = arith.mulf %get3A_37, %get3A_41 : vector<16xf32>
        %swap3A = arith.index_cast %scan3A_34 : i32 to index
        %swap3A_43 = arith.constant 0 : index
        %swap3A_44 = tpu.vector_load %arg10[%swap3A, %swap3A_43] {strides = array<i32>} : memref<80x128xf32, #tpu.memory_space<vmem>>, vector<1x16xf32>,
        %swap3A_45 = vector.shape_cast %swap3A_44 : vector<1x16xf32> to vector<16xf32>
        %swap3A_46 = vector.shape_cast %mul3A_42 : vector<16xf32> to vector<1x16xf32>
        tpu.vector_store %arg10[%swap3A, %swap3A_43], %swap3A_46 {strides = array<i32>} : memref<80x128xf32, #tpu.memory_space<vmem>>, vector<1x16xf32>,
        %get3A_47 = arith.index_cast %scan3A_34 : i32 to index
        %get3A_48 = arith.constant 16 : index
        %get3A_49 = tpu.vector_load %arg10[%get3A_47, %get3A_48] {strides = array<i32>} : memref<80x128xf32, #tpu.memory_space<vmem>>, vector<1x16xf32>,
        %get3A_50 = vector.shape_cast %get3A_49 : vector<1x16xf32> to vector<16xf32>
        %get3A_51 = arith.index_cast %scan3A_34 : i32 to index
        %get3A_52 = arith.constant 16 : index
        %get3A_53 = tpu.vector_load %arg11[%get3A_51, %get3A_52] {strides = array<i32>} : memref<80x128xf32, #tpu.memory_space<vmem>>, vector<1x16xf32>,
        %get3A_54 = vector.shape_cast %get3A_53 : vector<1x16xf32> to vector<16xf32>
        %mul3A_55 = arith.mulf %get3A_50, %get3A_54 : vector<16xf32>
        %swap3A_56 = arith.index_cast %scan3A_34 : i32 to index
        %swap3A_57 = arith.constant 16 : index
        %swap3A_58 = tpu.vector_load %arg10[%swap3A_56, %swap3A_57] {strides = array<i32>} : memref<80x128xf32, #tpu.memory_space<vmem>>, vector<1x16xf32>,
        %swap3A_59 = vector.shape_cast %swap3A_58 : vector<1x16xf32> to vector<16xf32>
        %swap3A_60 = vector.shape_cast %mul3A_55 : vector<16xf32> to vector<1x16xf32>
        tpu.vector_store %arg10[%swap3A_56, %swap3A_57], %swap3A_60 {strides = array<i32>} : memref<80x128xf32, #tpu.memory_space<vmem>>, vector<1x16xf32>,
        %get3A_61 = arith.index_cast %scan3A_34 : i32 to index
        %get3A_62 = arith.constant 32 : index
        %get3A_63 = tpu.vector_load %arg10[%get3A_61, %get3A_62] {strides = array<i32>} : memref<80x128xf32, #tpu.memory_space<vmem>>, vector<1x16xf32>,
        %get3A_64 = vector.shape_cast %get3A_63 : vector<1x16xf32> to vector<16xf32>
        %get3A_65 = arith.index_cast %scan3A_34 : i32 to index
        %get3A_66 = arith.constant 32 : index
        %get3A_67 = tpu.vector_load %arg11[%get3A_65, %get3A_66] {strides = array<i32>} : memref<80x128xf32, #tpu.memory_space<vmem>>, vector<1x16xf32>,
        %get3A_68 = vector.shape_cast %get3A_67 : vector<1x16xf32> to vector<16xf32>
        %mul3A_69 = arith.mulf %get3A_64, %get3A_68 : vector<16xf32>
        %swap3A_70 = arith.index_cast %scan3A_34 : i32 to index
        %swap3A_71 = arith.constant 32 : index
        %swap3A_72 = tpu.vector_load %arg10[%swap3A_70, %swap3A_71] {strides = array<i32>} : memref<80x128xf32, #tpu.memory_space<vmem>>, vector<1x16xf32>,
        %swap3A_73 = vector.shape_cast %swap3A_72 : vector<1x16xf32> to vector<16xf32>
        %swap3A_74 = vector.shape_cast %mul3A_69 : vector<16xf32> to vector<1x16xf32>
        tpu.vector_store %arg10[%swap3A_70, %swap3A_71], %swap3A_74 {strides = array<i32>} : memref<80x128xf32, #tpu.memory_space<vmem>>, vector<1x16xf32>,
        %get3A_75 = arith.index_cast %scan3A_34 : i32 to index
        %get3A_76 = arith.constant 48 : index
        %get3A_77 = tpu.vector_load %arg10[%get3A_75, %get3A_76] {strides = array<i32>} : memref<80x128xf32, #tpu.memory_space<vmem>>, vector<1x16xf32>,
        %get3A_78 = vector.shape_cast %get3A_77 : vector<1x16xf32> to vector<16xf32>
        %get3A_79 = arith.index_cast %scan3A_34 : i32 to index
        %get3A_80 = arith.constant 48 : index
        %get3A_81 = tpu.vector_load %arg11[%get3A_79, %get3A_80] {strides = array<i32>} : memref<80x128xf32, #tpu.memory_space<vmem>>, vector<1x16xf32>,
        %get3A_82 = vector.shape_cast %get3A_81 : vector<1x16xf32> to vector<16xf32>
        %mul3A_83 = arith.mulf %get3A_78, %get3A_82 : vector<16xf32>
        %swap3A_84 = arith.index_cast %scan3A_34 : i32 to index
        %swap3A_85 = arith.constant 48 : index
        %swap3A_86 = tpu.vector_load %arg10[%swap3A_84, %swap3A_85] {strides = array<i32>} : memref<80x128xf32, #tpu.memory_space<vmem>>, vector<1x16xf32>,
        %swap3A_87 = vector.shape_cast %swap3A_86 : vector<1x16xf32> to vector<16xf32>
        %swap3A_88 = vector.shape_cast %mul3A_83 : vector<16xf32> to vector<1x16xf32>
        tpu.vector_store %arg10[%swap3A_84, %swap3A_85], %swap3A_88 {strides = array<i32>} : memref<80x128xf32, #tpu.memory_space<vmem>>, vector<1x16xf32>,
        %get3A_89 = arith.index_cast %scan3A_34 : i32 to index
        %get3A_90 = arith.constant 64 : index
        %get3A_91 = tpu.vector_load %arg10[%get3A_89, %get3A_90] {strides = array<i32>} : memref<80x128xf32, #tpu.memory_space<vmem>>, vector<1x16xf32>,
        %get3A_92 = vector.shape_cast %get3A_91 : vector<1x16xf32> to vector<16xf32>
        %get3A_93 = arith.index_cast %scan3A_34 : i32 to index
        %get3A_94 = arith.constant 64 : index
        %get3A_95 = tpu.vector_load %arg11[%get3A_93, %get3A_94] {strides = array<i32>} : memref<80x128xf32, #tpu.memory_space<vmem>>, vector<1x16xf32>,
        %get3A_96 = vector.shape_cast %get3A_95 : vector<1x16xf32> to vector<16xf32>
        %mul3A_97 = arith.mulf %get3A_92, %get3A_96 : vector<16xf32>
        %swap3A_98 = arith.index_cast %scan3A_34 : i32 to index
        %swap3A_99 = arith.constant 64 : index
        %swap3A_100 = tpu.vector_load %arg10[%swap3A_98, %swap3A_99] {strides = array<i32>} : memref<80x128xf32, #tpu.memory_space<vmem>>, vector<1x16xf32>,
        %swap3A_101 = vector.shape_cast %swap3A_100 : vector<1x16xf32> to vector<16xf32>
        %swap3A_102 = vector.shape_cast %mul3A_97 : vector<16xf32> to vector<1x16xf32>
        tpu.vector_store %arg10[%swap3A_98, %swap3A_99], %swap3A_102 {strides = array<i32>} : memref<80x128xf32, #tpu.memory_space<vmem>>, vector<1x16xf32>,
        %get3A_103 = arith.index_cast %scan3A_34 : i32 to index
        %get3A_104 = arith.constant 80 : index
        %get3A_105 = tpu.vector_load %arg10[%get3A_103, %get3A_104] {strides = array<i32>} : memref<80x128xf32, #tpu.memory_space<vmem>>, vector<1x16xf32>,
        %get3A_106 = vector.shape_cast %get3A_105 : vector<1x16xf32> to vector<16xf32>
        %get3A_107 = arith.index_cast %scan3A_34 : i32 to index
        %get3A_108 = arith.constant 80 : index
        %get3A_109 = tpu.vector_load %arg11[%get3A_107, %get3A_108] {strides = array<i32>} : memref<80x128xf32, #tpu.memory_space<vmem>>, vector<1x16xf32>,
        %get3A_110 = vector.shape_cast %get3A_109 : vector<1x16xf32> to vector<16xf32>
        %mul3A_111 = arith.mulf %get3A_106, %get3A_110 : vector<16xf32>
        %swap3A_112 = arith.index_cast %scan3A_34 : i32 to index
        %swap3A_113 = arith.constant 80 : index
        %swap3A_114 = tpu.vector_load %arg10[%swap3A_112, %swap3A_113] {strides = array<i32>} : memref<80x128xf32, #tpu.memory_space<vmem>>, vector<1x16xf32>,
        %swap3A_115 = vector.shape_cast %swap3A_114 : vector<1x16xf32> to vector<16xf32>
        %swap3A_116 = vector.shape_cast %mul3A_111 : vector<16xf32> to vector<1x16xf32>
        tpu.vector_store %arg10[%swap3A_112, %swap3A_113], %swap3A_116 {strides = array<i32>} : memref<80x128xf32, #tpu.memory_space<vmem>>, vector<1x16xf32>,
        %get3A_117 = arith.index_cast %scan3A_34 : i32 to index
        %get3A_118 = arith.constant 96 : index
        %get3A_119 = tpu.vector_load %arg10[%get3A_117, %get3A_118] {strides = array<i32>} : memref<80x128xf32, #tpu.memory_space<vmem>>, vector<1x16xf32>,
        %get3A_120 = vector.shape_cast %get3A_119 : vector<1x16xf32> to vector<16xf32>
        %get3A_121 = arith.index_cast %scan3A_34 : i32 to index
        %get3A_122 = arith.constant 96 : index
        %get3A_123 = tpu.vector_load %arg11[%get3A_121, %get3A_122] {strides = array<i32>} : memref<80x128xf32, #tpu.memory_space<vmem>>, vector<1x16xf32>,
        %get3A_124 = vector.shape_cast %get3A_123 : vector<1x16xf32> to vector<16xf32>
        %mul3A_125 = arith.mulf %get3A_120, %get3A_124 : vector<16xf32>
        %swap3A_126 = arith.index_cast %scan3A_34 : i32 to index
        %swap3A_127 = arith.constant 96 : index
        %swap3A_128 = tpu.vector_load %arg10[%swap3A_126, %swap3A_127] {strides = array<i32>} : memref<80x128xf32, #tpu.memory_space<vmem>>, vector<1x16xf32>,
        %swap3A_129 = vector.shape_cast %swap3A_128 : vector<1x16xf32> to vector<16xf32>
        %swap3A_130 = vector.shape_cast %mul3A_125 : vector<16xf32> to vector<1x16xf32>
        tpu.vector_store %arg10[%swap3A_126, %swap3A_127], %swap3A_130 {strides = array<i32>} : memref<80x128xf32, #tpu.memory_space<vmem>>, vector<1x16xf32>,
        %get3A_131 = arith.index_cast %scan3A_34 : i32 to index
        %get3A_132 = arith.constant 112 : index
        %get3A_133 = tpu.vector_load %arg10[%get3A_131, %get3A_132] {strides = array<i32>} : memref<80x128xf32, #tpu.memory_space<vmem>>, vector<1x16xf32>,
        %get3A_134 = vector.shape_cast %get3A_133 : vector<1x16xf32> to vector<16xf32>
        %get3A_135 = arith.index_cast %scan3A_34 : i32 to index
        %get3A_136 = arith.constant 112 : index
        %get3A_137 = tpu.vector_load %arg11[%get3A_135, %get3A_136] {strides = array<i32>} : memref<80x128xf32, #tpu.memory_space<vmem>>, vector<1x16xf32>,
        %get3A_138 = vector.shape_cast %get3A_137 : vector<1x16xf32> to vector<16xf32>
        %mul3A_139 = arith.mulf %get3A_134, %get3A_138 : vector<16xf32>
        %swap3A_140 = arith.index_cast %scan3A_34 : i32 to index
        %swap3A_141 = arith.constant 112 : index
        %swap3A_142 = tpu.vector_load %arg10[%swap3A_140, %swap3A_141] {strides = array<i32>} : memref<80x128xf32, #tpu.memory_space<vmem>>, vector<1x16xf32>,
        %swap3A_143 = vector.shape_cast %swap3A_142 : vector<1x16xf32> to vector<16xf32>
        %swap3A_144 = vector.shape_cast %mul3A_139 : vector<16xf32> to vector<1x16xf32>
        tpu.vector_store %arg10[%swap3A_140, %swap3A_141], %swap3A_144 {strides = array<i32>} : memref<80x128xf32, #tpu.memory_space<vmem>>, vector<1x16xf32>,
      }
      %scan3A_33 = arith.constant 80 : i32
      "tpu.region"() ({
        %run_scoped3A = tpu.sem_alloc : memref<!tpu.dma_semaphore, #tpu.memory_space<semaphore_mem>>
        %dma_start3A_34 = arith.constant 0 : i32
        %dma_start3A_35 = arith.constant 0 : i32
        %dma_start3A_36 = tpu.memref_slice %arg12[%dma_start3A_34, %dma_start3A_35] : memref<10240x128xf32, #tpu.memory_space<vmem_shared>> -> memref<10240x128xf32, #tpu.memory_space<vmem_shared>>
        tpu.enqueue_indirect_dma source(%arg10 : memref<80x128xf32, #tpu.memory_space<vmem>>) target(%dma_start3A_36 : memref<10240x128xf32, #tpu.memory_space<vmem_shared>>) offsets(%arg9 : memref<80xi32, #tpu.memory_space<vmem>>) semaphore(%run_scoped3A : memref<!tpu.dma_semaphore, #tpu.memory_space<semaphore_mem>>) {add = true}
        %dma_wait3A_37 = arith.constant 0 : i32
        %dma_wait3A_38 = arith.constant 0 : i32
        %dma_wait3A_39 = tpu.memref_slice %arg12[%dma_wait3A_37, %dma_wait3A_38] : memref<10240x128xf32, #tpu.memory_space<vmem_shared>> -> memref<10240x128xf32, #tpu.memory_space<vmem_shared>>
        tpu.wait_indirect_dma semaphore(%run_scoped3A : memref<!tpu.dma_semaphore, #tpu.memory_space<semaphore_mem>>) src(%arg10 : memref<80x128xf32, #tpu.memory_space<vmem>>) dst(%dma_wait3A_39 : memref<10240x128xf32, #tpu.memory_space<vmem_shared>>)
        tpu.yield
      }) : () -> ()
    }
    %scan3A_11 = arith.constant 125 : i32
    %barrier3A_12 = arith.constant 0 : index
    tpu.barrier barrier_id(%barrier3A_12)
    %mul3A_13 = arith.constant 640 : i32
    %mul3A_14 = arith.muli %arg1, %mul3A_13 : i32
    %mul3A_15 = arith.constant 10240 : i32
    %mul3A_16 = arith.muli %arg0, %mul3A_15 : i32
    %mul3A_17 = arith.constant 640 : i32
    %mul3A_18 = arith.muli %arg1, %mul3A_17 : i32
    %add3A_19 = arith.addi %mul3A_16, %mul3A_18 : i32
    "tpu.region"() ({
      %run_scoped3A = tpu.sem_alloc : memref<!tpu.dma_semaphore, #tpu.memory_space<semaphore_mem>>
      %dma_start3A = arith.constant 0 : i32
      %dma_start3A_20 = tpu.memref_slice %arg7[%add3A_19, %dma_start3A] : memref<20480x128xf32, #tpu.memory_space<hbm>> -> memref<640x128xf32, #tpu.memory_space<hbm>>
      %dma_start3A_21 = arith.constant 0 : i32
      %dma_start3A_22 = tpu.memref_slice %arg12[%mul3A_14, %dma_start3A_21] : memref<10240x128xf32, #tpu.memory_space<vmem_shared>> -> memref<640x128xf32, #tpu.memory_space<vmem_shared>>
      tpu.enqueue_dma source(%dma_start3A_22 : memref<640x128xf32, #tpu.memory_space<vmem_shared>>) target(%dma_start3A_20 : memref<640x128xf32, #tpu.memory_space<hbm>>) target_semaphore(%run_scoped3A : memref<!tpu.dma_semaphore, #tpu.memory_space<semaphore_mem>>)
      %dma_wait3A = arith.constant 0 : i32
      %dma_wait3A_23 = tpu.memref_slice %arg7[%add3A_19, %dma_wait3A] : memref<20480x128xf32, #tpu.memory_space<hbm>> -> memref<640x128xf32, #tpu.memory_space<hbm>>
      %dma_wait3A_24 = arith.constant 0 : i32
      %dma_wait3A_25 = tpu.memref_slice %arg12[%mul3A_14, %dma_wait3A_24] : memref<10240x128xf32, #tpu.memory_space<vmem_shared>> -> memref<640x128xf32, #tpu.memory_space<vmem_shared>>
      tpu.wait_dma2 semaphore(%run_scoped3A : memref<!tpu.dma_semaphore, #tpu.memory_space<semaphore_mem>>) src(%dma_wait3A_25 : memref<640x128xf32, #tpu.memory_space<vmem_shared>>) dst(%dma_wait3A_23 : memref<640x128xf32, #tpu.memory_space<hbm>>)
      tpu.yield
    }) : () -> ()
    return
  }
}

module attributes {stable_mosaic.version = 14 : i64} {
  func.func @_wc_body(%arg0: memref<8x64xf32, #tpu.memory_space<vmem>>, %arg1: memref<64x64xf32, #tpu.memory_space<vmem>>, %arg2: memref<64x64xf32, #tpu.memory_space<vmem>>, %arg3: memref<64x128xf32, #tpu.memory_space<vmem>>, %arg4: memref<8x128xf32, #tpu.memory_space<vmem>>) attributes {dimension_semantics = [], scalar_prefetch = 0 : i64, scratch_operands = 0 : i64, tpu.core_type = #tpu.core_type<tc>} {
    %get3A = arith.constant 0 : index
    %get3A_0 = arith.constant 0 : index
    %get3A_1 = vector.load %arg0[%get3A, %get3A_0] : memref<8x64xf32, #tpu.memory_space<vmem>>, vector<8x64xf32>
    %get3A_2 = arith.constant 0 : index
    %get3A_3 = arith.constant 0 : index
    %get3A_4 = vector.load %arg1[%get3A_2, %get3A_3] : memref<64x64xf32, #tpu.memory_space<vmem>>, vector<64x64xf32>
    %dot_general3A = arith.constant dense<0.000000e+00> : vector<8x64xf32>
    %dot_general3A_5 = tpu.matmul %get3A_1, %get3A_4, %dot_general3A {dimension_numbers = #tpu.dot_dimension_numbers<[1], [0], [0], [1], [0, 0, 1, 1], [], []>, transpose_lhs_hint = false} : vector<8x64xf32>, vector<64x64xf32>, vector<8x64xf32> -> vector<8x64xf32>
    %get3A_6 = arith.constant 0 : index
    %get3A_7 = arith.constant 0 : index
    %get3A_8 = vector.load %arg2[%get3A_6, %get3A_7] : memref<64x64xf32, #tpu.memory_space<vmem>>, vector<64x64xf32>
    %dot_general3A_9 = arith.constant dense<0.000000e+00> : vector<8x64xf32>
    %dot_general3A_10 = tpu.matmul %dot_general3A_5, %get3A_8, %dot_general3A_9 {dimension_numbers = #tpu.dot_dimension_numbers<[1], [0], [0], [1], [0, 0, 1, 1], [], []>, transpose_lhs_hint = false} : vector<8x64xf32>, vector<64x64xf32>, vector<8x64xf32> -> vector<8x64xf32>
    %get3A_11 = arith.constant 0 : index
    %get3A_12 = arith.constant 0 : index
    %get3A_13 = vector.load %arg3[%get3A_11, %get3A_12] : memref<64x128xf32, #tpu.memory_space<vmem>>, vector<64x128xf32>
    %dot_general3A_14 = arith.constant dense<0.000000e+00> : vector<8x128xf32>
    %dot_general3A_15 = tpu.matmul %dot_general3A_10, %get3A_13, %dot_general3A_14 {dimension_numbers = #tpu.dot_dimension_numbers<[1], [0], [0], [1], [0, 0, 1, 1], [], []>, transpose_lhs_hint = false} : vector<8x64xf32>, vector<64x128xf32>, vector<8x128xf32> -> vector<8x128xf32>
    %mul3A = arith.constant 6.90533954E-4 : f32
    %mul3A_16 = vector.broadcast %mul3A : f32 to vector<8x128xf32>
    %mul3A_17 = arith.mulf %dot_general3A_15, %mul3A_16 : vector<8x128xf32>
    %swap3A = arith.constant 0 : index
    %swap3A_18 = arith.constant 0 : index
    %swap3A_19 = vector.load %arg4[%swap3A, %swap3A_18] : memref<8x128xf32, #tpu.memory_space<vmem>>, vector<8x128xf32>
    tpu.vector_store %arg4[%swap3A, %swap3A_18], %mul3A_17 {strides = array<i32>} : memref<8x128xf32, #tpu.memory_space<vmem>>, vector<8x128xf32>,
    return
  }
}

module attributes {stable_mosaic.version = 14 : i64} {
  func.func @_we_body(%arg0: i32, %arg1: memref<2000x8xf32, #tpu.memory_space<vmem>>, %arg2: memref<2000x1xf32, #tpu.memory_space<vmem>>, %arg3: memref<8x128xf32, #tpu.memory_space<vmem>>, %arg4: memref<2000x128xf32, #tpu.memory_space<vmem>>) attributes {dimension_semantics = [#tpu.dimension_semantics<arbitrary>], iteration_bounds = array<i64: 160>, scalar_prefetch = 0 : i64, scratch_operands = 0 : i64, tpu.core_type = #tpu.core_type<tc>, window_params = [{transform_indices = @transform_0, window_bounds = array<i64: 2000, 8>}, {transform_indices = @transform_1, window_bounds = array<i64: 2000, 1>}, {pipeline_mode = #tpu.pipeline_mode<synchronous>, transform_indices = @transform_2, window_bounds = array<i64: 8, 128>}, {transform_indices = @transform_3, window_bounds = array<i64: 2000, 128>}]} {
    %get3A = arith.constant 0 : index
    %get3A_0 = arith.constant 0 : index
    %get3A_1 = vector.load %arg1[%get3A, %get3A_0] : memref<2000x8xf32, #tpu.memory_space<vmem>>, vector<2000x8xf32>
    %get3A_2 = arith.constant 0 : index
    %get3A_3 = arith.constant 0 : index
    %get3A_4 = vector.load %arg2[%get3A_2, %get3A_3] : memref<2000x1xf32, #tpu.memory_space<vmem>>, vector<2000x1xf32>
    %mul3A = vector.broadcast %get3A_4 : vector<2000x1xf32> to vector<2000x8xf32>
    %mul3A_5 = arith.mulf %get3A_1, %mul3A : vector<2000x8xf32>
    %get3A_6 = arith.constant 0 : index
    %get3A_7 = arith.constant 0 : index
    %get3A_8 = vector.load %arg3[%get3A_6, %get3A_7] : memref<8x128xf32, #tpu.memory_space<vmem>>, vector<8x128xf32>
    %dot_general3A = arith.constant dense<0.000000e+00> : vector<2000x128xf32>
    %dot_general3A_9 = tpu.matmul %mul3A_5, %get3A_8, %dot_general3A {dimension_numbers = #tpu.dot_dimension_numbers<[1], [0], [0], [1], [0, 0, 1, 1], [], []>, transpose_lhs_hint = false} : vector<2000x8xf32>, vector<8x128xf32>, vector<2000x128xf32> -> vector<2000x128xf32>
    %swap3A = arith.constant 0 : index
    %swap3A_10 = arith.constant 0 : index
    %swap3A_11 = vector.load %arg4[%swap3A, %swap3A_10] : memref<2000x128xf32, #tpu.memory_space<vmem>>, vector<2000x128xf32>
    tpu.vector_store %arg4[%swap3A, %swap3A_10], %dot_general3A_9 {strides = array<i32>} : memref<2000x128xf32, #tpu.memory_space<vmem>>, vector<2000x128xf32>,
    return
  }
  func.func @transform_0(%arg0: i32) -> (i32, i32) {
    %c0_i32 = arith.constant 0 : i32
    %c0_i32_0 = arith.constant 0 : i32
    return %arg0, %c0_i32 : i32, i32
  }
  func.func @transform_1(%arg0: i32) -> (i32, i32) {
    %c0_i32 = arith.constant 0 : i32
    %c0_i32_0 = arith.constant 0 : i32
    return %arg0, %c0_i32 : i32, i32
  }
  func.func @transform_2(%arg0: i32) -> (i32, i32) {
    %c0_i32 = arith.constant 0 : i32
    %c0_i32_0 = arith.constant 0 : i32
    %c0_i32_1 = arith.constant 0 : i32
    return %c0_i32, %c0_i32_0 : i32, i32
  }
  func.func @transform_3(%arg0: i32) -> (i32, i32) {
    %c0_i32 = arith.constant 0 : i32
    %c0_i32_0 = arith.constant 0 : i32
    return %arg0, %c0_i32 : i32, i32
  }
}

module attributes {stable_mosaic.version = 14 : i64} {
  func.func @_xsc_body(%arg0: i32, %arg1: memref<1000x128xf32, #tpu.memory_space<vmem>>, %arg2: memref<1000x10xf32, #tpu.memory_space<vmem>>, %arg3: memref<128x128xf32, #tpu.memory_space<vmem>>, %arg4: memref<10x128x128xf32, #tpu.memory_space<vmem>>, %arg5: memref<1000x128xf32, #tpu.memory_space<vmem>>, %arg6: memref<1000x128xf32, #tpu.memory_space<vmem>>) attributes {dimension_semantics = [#tpu.dimension_semantics<arbitrary>], iteration_bounds = array<i64: 10>, scalar_prefetch = 0 : i64, scratch_operands = 0 : i64, tpu.core_type = #tpu.core_type<tc>, window_params = [{transform_indices = @transform_0, window_bounds = array<i64: 1000, 128>}, {transform_indices = @transform_1, window_bounds = array<i64: 1000, 10>}, {pipeline_mode = #tpu.pipeline_mode<synchronous>, transform_indices = @transform_2, window_bounds = array<i64: 128, 128>}, {pipeline_mode = #tpu.pipeline_mode<synchronous>, transform_indices = @transform_3, window_bounds = array<i64: 10, 128, 128>}, {transform_indices = @transform_4, window_bounds = array<i64: 1000, 128>}, {transform_indices = @transform_5, window_bounds = array<i64: 1000, 128>}]} {
    %get3A = arith.constant 0 : index
    %get3A_0 = arith.constant 0 : index
    %get3A_1 = vector.load %arg1[%get3A, %get3A_0] : memref<1000x128xf32, #tpu.memory_space<vmem>>, vector<1000x128xf32>
    %get3A_2 = arith.constant 0 : index
    %get3A_3 = arith.constant 0 : index
    %get3A_4 = vector.load %arg3[%get3A_2, %get3A_3] : memref<128x128xf32, #tpu.memory_space<vmem>>, vector<128x128xf32>
    %dot_general3A = arith.constant dense<0.000000e+00> : vector<1000x128xf32>
    %dot_general3A_5 = tpu.matmul %get3A_1, %get3A_4, %dot_general3A {dimension_numbers = #tpu.dot_dimension_numbers<[1], [0], [0], [1], [0, 0, 1, 1], [], []>, transpose_lhs_hint = false} : vector<1000x128xf32>, vector<128x128xf32>, vector<1000x128xf32> -> vector<1000x128xf32>
    %mul3A = arith.constant 0.0883883461 : f32
    %mul3A_6 = vector.broadcast %mul3A : f32 to vector<1000x128xf32>
    %mul3A_7 = arith.mulf %dot_general3A_5, %mul3A_6 : vector<1000x128xf32>
    %swap3A = arith.constant 0 : index
    %swap3A_8 = arith.constant 0 : index
    %swap3A_9 = vector.load %arg5[%swap3A, %swap3A_8] : memref<1000x128xf32, #tpu.memory_space<vmem>>, vector<1000x128xf32>
    tpu.vector_store %arg5[%swap3A, %swap3A_8], %mul3A_7 {strides = array<i32>} : memref<1000x128xf32, #tpu.memory_space<vmem>>, vector<1000x128xf32>,
    %broadcast_in_dim3A = arith.constant 0.000000e+00 : f32
    %broadcast_in_dim3A_10 = vector.broadcast %broadcast_in_dim3A : f32 to vector<1000x128xf32>
    %get3A_11 = arith.constant 0 : index
    %get3A_12 = arith.constant 0 : index
    %get3A_13 = vector.load %arg2[%get3A_11, %get3A_12] : memref<1000x10xf32, #tpu.memory_space<vmem>>, vector<1000x1xf32>
    %get3A_14 = vector.shape_cast %get3A_13 : vector<1000x1xf32> to vector<1000xf32>
    %broadcast_in_dim3A_15 = vector.shape_cast %get3A_14 : vector<1000xf32> to vector<1000x1xf32>
    %get3A_16 = arith.constant 0 : index
    %get3A_17 = arith.constant 0 : index
    %get3A_18 = arith.constant 0 : index
    %get3A_19 = vector.load %arg4[%get3A_16, %get3A_17, %get3A_18] : memref<10x128x128xf32, #tpu.memory_space<vmem>>, vector<1x128x128xf32>
    %get3A_20 = vector.shape_cast %get3A_19 : vector<1x128x128xf32> to vector<128x128xf32>
    %dot_general3A_21 = arith.constant dense<0.000000e+00> : vector<1000x128xf32>
    %dot_general3A_22 = tpu.matmul %mul3A_7, %get3A_20, %dot_general3A_21 {dimension_numbers = #tpu.dot_dimension_numbers<[1], [0], [0], [1], [0, 0, 1, 1], [], []>, transpose_lhs_hint = false} : vector<1000x128xf32>, vector<128x128xf32>, vector<1000x128xf32> -> vector<1000x128xf32>
    %mul3A_23 = vector.broadcast %broadcast_in_dim3A_15 : vector<1000x1xf32> to vector<1000x128xf32>
    %mul3A_24 = arith.mulf %mul3A_23, %dot_general3A_22 : vector<1000x128xf32>
    %add3A = arith.addf %broadcast_in_dim3A_10, %mul3A_24 : vector<1000x128xf32>
    %get3A_25 = arith.constant 0 : index
    %get3A_26 = arith.constant 1 : index
    %get3A_27 = vector.load %arg2[%get3A_25, %get3A_26] : memref<1000x10xf32, #tpu.memory_space<vmem>>, vector<1000x1xf32>
    %get3A_28 = vector.shape_cast %get3A_27 : vector<1000x1xf32> to vector<1000xf32>
    %broadcast_in_dim3A_29 = vector.shape_cast %get3A_28 : vector<1000xf32> to vector<1000x1xf32>
    %get3A_30 = arith.constant 1 : index
    %get3A_31 = arith.constant 0 : index
    %get3A_32 = arith.constant 0 : index
    %get3A_33 = vector.load %arg4[%get3A_30, %get3A_31, %get3A_32] : memref<10x128x128xf32, #tpu.memory_space<vmem>>, vector<1x128x128xf32>
    %get3A_34 = vector.shape_cast %get3A_33 : vector<1x128x128xf32> to vector<128x128xf32>
    %dot_general3A_35 = arith.constant dense<0.000000e+00> : vector<1000x128xf32>
    %dot_general3A_36 = tpu.matmul %mul3A_7, %get3A_34, %dot_general3A_35 {dimension_numbers = #tpu.dot_dimension_numbers<[1], [0], [0], [1], [0, 0, 1, 1], [], []>, transpose_lhs_hint = false} : vector<1000x128xf32>, vector<128x128xf32>, vector<1000x128xf32> -> vector<1000x128xf32>
    %mul3A_37 = vector.broadcast %broadcast_in_dim3A_29 : vector<1000x1xf32> to vector<1000x128xf32>
    %mul3A_38 = arith.mulf %mul3A_37, %dot_general3A_36 : vector<1000x128xf32>
    %add3A_39 = arith.addf %add3A, %mul3A_38 : vector<1000x128xf32>
    %get3A_40 = arith.constant 0 : index
    %get3A_41 = arith.constant 2 : index
    %get3A_42 = vector.load %arg2[%get3A_40, %get3A_41] : memref<1000x10xf32, #tpu.memory_space<vmem>>, vector<1000x1xf32>
    %get3A_43 = vector.shape_cast %get3A_42 : vector<1000x1xf32> to vector<1000xf32>
    %broadcast_in_dim3A_44 = vector.shape_cast %get3A_43 : vector<1000xf32> to vector<1000x1xf32>
    %get3A_45 = arith.constant 2 : index
    %get3A_46 = arith.constant 0 : index
    %get3A_47 = arith.constant 0 : index
    %get3A_48 = vector.load %arg4[%get3A_45, %get3A_46, %get3A_47] : memref<10x128x128xf32, #tpu.memory_space<vmem>>, vector<1x128x128xf32>
    %get3A_49 = vector.shape_cast %get3A_48 : vector<1x128x128xf32> to vector<128x128xf32>
    %dot_general3A_50 = arith.constant dense<0.000000e+00> : vector<1000x128xf32>
    %dot_general3A_51 = tpu.matmul %mul3A_7, %get3A_49, %dot_general3A_50 {dimension_numbers = #tpu.dot_dimension_numbers<[1], [0], [0], [1], [0, 0, 1, 1], [], []>, transpose_lhs_hint = false} : vector<1000x128xf32>, vector<128x128xf32>, vector<1000x128xf32> -> vector<1000x128xf32>
    %mul3A_52 = vector.broadcast %broadcast_in_dim3A_44 : vector<1000x1xf32> to vector<1000x128xf32>
    %mul3A_53 = arith.mulf %mul3A_52, %dot_general3A_51 : vector<1000x128xf32>
    %add3A_54 = arith.addf %add3A_39, %mul3A_53 : vector<1000x128xf32>
    %get3A_55 = arith.constant 0 : index
    %get3A_56 = arith.constant 3 : index
    %get3A_57 = vector.load %arg2[%get3A_55, %get3A_56] : memref<1000x10xf32, #tpu.memory_space<vmem>>, vector<1000x1xf32>
    %get3A_58 = vector.shape_cast %get3A_57 : vector<1000x1xf32> to vector<1000xf32>
    %broadcast_in_dim3A_59 = vector.shape_cast %get3A_58 : vector<1000xf32> to vector<1000x1xf32>
    %get3A_60 = arith.constant 3 : index
    %get3A_61 = arith.constant 0 : index
    %get3A_62 = arith.constant 0 : index
    %get3A_63 = vector.load %arg4[%get3A_60, %get3A_61, %get3A_62] : memref<10x128x128xf32, #tpu.memory_space<vmem>>, vector<1x128x128xf32>
    %get3A_64 = vector.shape_cast %get3A_63 : vector<1x128x128xf32> to vector<128x128xf32>
    %dot_general3A_65 = arith.constant dense<0.000000e+00> : vector<1000x128xf32>
    %dot_general3A_66 = tpu.matmul %mul3A_7, %get3A_64, %dot_general3A_65 {dimension_numbers = #tpu.dot_dimension_numbers<[1], [0], [0], [1], [0, 0, 1, 1], [], []>, transpose_lhs_hint = false} : vector<1000x128xf32>, vector<128x128xf32>, vector<1000x128xf32> -> vector<1000x128xf32>
    %mul3A_67 = vector.broadcast %broadcast_in_dim3A_59 : vector<1000x1xf32> to vector<1000x128xf32>
    %mul3A_68 = arith.mulf %mul3A_67, %dot_general3A_66 : vector<1000x128xf32>
    %add3A_69 = arith.addf %add3A_54, %mul3A_68 : vector<1000x128xf32>
    %get3A_70 = arith.constant 0 : index
    %get3A_71 = arith.constant 4 : index
    %get3A_72 = vector.load %arg2[%get3A_70, %get3A_71] : memref<1000x10xf32, #tpu.memory_space<vmem>>, vector<1000x1xf32>
    %get3A_73 = vector.shape_cast %get3A_72 : vector<1000x1xf32> to vector<1000xf32>
    %broadcast_in_dim3A_74 = vector.shape_cast %get3A_73 : vector<1000xf32> to vector<1000x1xf32>
    %get3A_75 = arith.constant 4 : index
    %get3A_76 = arith.constant 0 : index
    %get3A_77 = arith.constant 0 : index
    %get3A_78 = vector.load %arg4[%get3A_75, %get3A_76, %get3A_77] : memref<10x128x128xf32, #tpu.memory_space<vmem>>, vector<1x128x128xf32>
    %get3A_79 = vector.shape_cast %get3A_78 : vector<1x128x128xf32> to vector<128x128xf32>
    %dot_general3A_80 = arith.constant dense<0.000000e+00> : vector<1000x128xf32>
    %dot_general3A_81 = tpu.matmul %mul3A_7, %get3A_79, %dot_general3A_80 {dimension_numbers = #tpu.dot_dimension_numbers<[1], [0], [0], [1], [0, 0, 1, 1], [], []>, transpose_lhs_hint = false} : vector<1000x128xf32>, vector<128x128xf32>, vector<1000x128xf32> -> vector<1000x128xf32>
    %mul3A_82 = vector.broadcast %broadcast_in_dim3A_74 : vector<1000x1xf32> to vector<1000x128xf32>
    %mul3A_83 = arith.mulf %mul3A_82, %dot_general3A_81 : vector<1000x128xf32>
    %add3A_84 = arith.addf %add3A_69, %mul3A_83 : vector<1000x128xf32>
    %get3A_85 = arith.constant 0 : index
    %get3A_86 = arith.constant 5 : index
    %get3A_87 = vector.load %arg2[%get3A_85, %get3A_86] : memref<1000x10xf32, #tpu.memory_space<vmem>>, vector<1000x1xf32>
    %get3A_88 = vector.shape_cast %get3A_87 : vector<1000x1xf32> to vector<1000xf32>
    %broadcast_in_dim3A_89 = vector.shape_cast %get3A_88 : vector<1000xf32> to vector<1000x1xf32>
    %get3A_90 = arith.constant 5 : index
    %get3A_91 = arith.constant 0 : index
    %get3A_92 = arith.constant 0 : index
    %get3A_93 = vector.load %arg4[%get3A_90, %get3A_91, %get3A_92] : memref<10x128x128xf32, #tpu.memory_space<vmem>>, vector<1x128x128xf32>
    %get3A_94 = vector.shape_cast %get3A_93 : vector<1x128x128xf32> to vector<128x128xf32>
    %dot_general3A_95 = arith.constant dense<0.000000e+00> : vector<1000x128xf32>
    %dot_general3A_96 = tpu.matmul %mul3A_7, %get3A_94, %dot_general3A_95 {dimension_numbers = #tpu.dot_dimension_numbers<[1], [0], [0], [1], [0, 0, 1, 1], [], []>, transpose_lhs_hint = false} : vector<1000x128xf32>, vector<128x128xf32>, vector<1000x128xf32> -> vector<1000x128xf32>
    %mul3A_97 = vector.broadcast %broadcast_in_dim3A_89 : vector<1000x1xf32> to vector<1000x128xf32>
    %mul3A_98 = arith.mulf %mul3A_97, %dot_general3A_96 : vector<1000x128xf32>
    %add3A_99 = arith.addf %add3A_84, %mul3A_98 : vector<1000x128xf32>
    %get3A_100 = arith.constant 0 : index
    %get3A_101 = arith.constant 6 : index
    %get3A_102 = vector.load %arg2[%get3A_100, %get3A_101] : memref<1000x10xf32, #tpu.memory_space<vmem>>, vector<1000x1xf32>
    %get3A_103 = vector.shape_cast %get3A_102 : vector<1000x1xf32> to vector<1000xf32>
    %broadcast_in_dim3A_104 = vector.shape_cast %get3A_103 : vector<1000xf32> to vector<1000x1xf32>
    %get3A_105 = arith.constant 6 : index
    %get3A_106 = arith.constant 0 : index
    %get3A_107 = arith.constant 0 : index
    %get3A_108 = vector.load %arg4[%get3A_105, %get3A_106, %get3A_107] : memref<10x128x128xf32, #tpu.memory_space<vmem>>, vector<1x128x128xf32>
    %get3A_109 = vector.shape_cast %get3A_108 : vector<1x128x128xf32> to vector<128x128xf32>
    %dot_general3A_110 = arith.constant dense<0.000000e+00> : vector<1000x128xf32>
    %dot_general3A_111 = tpu.matmul %mul3A_7, %get3A_109, %dot_general3A_110 {dimension_numbers = #tpu.dot_dimension_numbers<[1], [0], [0], [1], [0, 0, 1, 1], [], []>, transpose_lhs_hint = false} : vector<1000x128xf32>, vector<128x128xf32>, vector<1000x128xf32> -> vector<1000x128xf32>
    %mul3A_112 = vector.broadcast %broadcast_in_dim3A_104 : vector<1000x1xf32> to vector<1000x128xf32>
    %mul3A_113 = arith.mulf %mul3A_112, %dot_general3A_111 : vector<1000x128xf32>
    %add3A_114 = arith.addf %add3A_99, %mul3A_113 : vector<1000x128xf32>
    %get3A_115 = arith.constant 0 : index
    %get3A_116 = arith.constant 7 : index
    %get3A_117 = vector.load %arg2[%get3A_115, %get3A_116] : memref<1000x10xf32, #tpu.memory_space<vmem>>, vector<1000x1xf32>
    %get3A_118 = vector.shape_cast %get3A_117 : vector<1000x1xf32> to vector<1000xf32>
    %broadcast_in_dim3A_119 = vector.shape_cast %get3A_118 : vector<1000xf32> to vector<1000x1xf32>
    %get3A_120 = arith.constant 7 : index
    %get3A_121 = arith.constant 0 : index
    %get3A_122 = arith.constant 0 : index
    %get3A_123 = vector.load %arg4[%get3A_120, %get3A_121, %get3A_122] : memref<10x128x128xf32, #tpu.memory_space<vmem>>, vector<1x128x128xf32>
    %get3A_124 = vector.shape_cast %get3A_123 : vector<1x128x128xf32> to vector<128x128xf32>
    %dot_general3A_125 = arith.constant dense<0.000000e+00> : vector<1000x128xf32>
    %dot_general3A_126 = tpu.matmul %mul3A_7, %get3A_124, %dot_general3A_125 {dimension_numbers = #tpu.dot_dimension_numbers<[1], [0], [0], [1], [0, 0, 1, 1], [], []>, transpose_lhs_hint = false} : vector<1000x128xf32>, vector<128x128xf32>, vector<1000x128xf32> -> vector<1000x128xf32>
    %mul3A_127 = vector.broadcast %broadcast_in_dim3A_119 : vector<1000x1xf32> to vector<1000x128xf32>
    %mul3A_128 = arith.mulf %mul3A_127, %dot_general3A_126 : vector<1000x128xf32>
    %add3A_129 = arith.addf %add3A_114, %mul3A_128 : vector<1000x128xf32>
    %get3A_130 = arith.constant 0 : index
    %get3A_131 = arith.constant 8 : index
    %get3A_132 = vector.load %arg2[%get3A_130, %get3A_131] : memref<1000x10xf32, #tpu.memory_space<vmem>>, vector<1000x1xf32>
    %get3A_133 = vector.shape_cast %get3A_132 : vector<1000x1xf32> to vector<1000xf32>
    %broadcast_in_dim3A_134 = vector.shape_cast %get3A_133 : vector<1000xf32> to vector<1000x1xf32>
    %get3A_135 = arith.constant 8 : index
    %get3A_136 = arith.constant 0 : index
    %get3A_137 = arith.constant 0 : index
    %get3A_138 = vector.load %arg4[%get3A_135, %get3A_136, %get3A_137] : memref<10x128x128xf32, #tpu.memory_space<vmem>>, vector<1x128x128xf32>
    %get3A_139 = vector.shape_cast %get3A_138 : vector<1x128x128xf32> to vector<128x128xf32>
    %dot_general3A_140 = arith.constant dense<0.000000e+00> : vector<1000x128xf32>
    %dot_general3A_141 = tpu.matmul %mul3A_7, %get3A_139, %dot_general3A_140 {dimension_numbers = #tpu.dot_dimension_numbers<[1], [0], [0], [1], [0, 0, 1, 1], [], []>, transpose_lhs_hint = false} : vector<1000x128xf32>, vector<128x128xf32>, vector<1000x128xf32> -> vector<1000x128xf32>
    %mul3A_142 = vector.broadcast %broadcast_in_dim3A_134 : vector<1000x1xf32> to vector<1000x128xf32>
    %mul3A_143 = arith.mulf %mul3A_142, %dot_general3A_141 : vector<1000x128xf32>
    %add3A_144 = arith.addf %add3A_129, %mul3A_143 : vector<1000x128xf32>
    %get3A_145 = arith.constant 0 : index
    %get3A_146 = arith.constant 9 : index
    %get3A_147 = vector.load %arg2[%get3A_145, %get3A_146] : memref<1000x10xf32, #tpu.memory_space<vmem>>, vector<1000x1xf32>
    %get3A_148 = vector.shape_cast %get3A_147 : vector<1000x1xf32> to vector<1000xf32>
    %broadcast_in_dim3A_149 = vector.shape_cast %get3A_148 : vector<1000xf32> to vector<1000x1xf32>
    %get3A_150 = arith.constant 9 : index
    %get3A_151 = arith.constant 0 : index
    %get3A_152 = arith.constant 0 : index
    %get3A_153 = vector.load %arg4[%get3A_150, %get3A_151, %get3A_152] : memref<10x128x128xf32, #tpu.memory_space<vmem>>, vector<1x128x128xf32>
    %get3A_154 = vector.shape_cast %get3A_153 : vector<1x128x128xf32> to vector<128x128xf32>
    %dot_general3A_155 = arith.constant dense<0.000000e+00> : vector<1000x128xf32>
    %dot_general3A_156 = tpu.matmul %mul3A_7, %get3A_154, %dot_general3A_155 {dimension_numbers = #tpu.dot_dimension_numbers<[1], [0], [0], [1], [0, 0, 1, 1], [], []>, transpose_lhs_hint = false} : vector<1000x128xf32>, vector<128x128xf32>, vector<1000x128xf32> -> vector<1000x128xf32>
    %mul3A_157 = vector.broadcast %broadcast_in_dim3A_149 : vector<1000x1xf32> to vector<1000x128xf32>
    %mul3A_158 = arith.mulf %mul3A_157, %dot_general3A_156 : vector<1000x128xf32>
    %add3A_159 = arith.addf %add3A_144, %mul3A_158 : vector<1000x128xf32>
    %mul3A_160 = arith.constant 0.0279508494 : f32
    %mul3A_161 = vector.broadcast %mul3A_160 : f32 to vector<1000x128xf32>
    %mul3A_162 = arith.mulf %add3A_159, %mul3A_161 : vector<1000x128xf32>
    %swap3A_163 = arith.constant 0 : index
    %swap3A_164 = arith.constant 0 : index
    %swap3A_165 = vector.load %arg6[%swap3A_163, %swap3A_164] : memref<1000x128xf32, #tpu.memory_space<vmem>>, vector<1000x128xf32>
    tpu.vector_store %arg6[%swap3A_163, %swap3A_164], %mul3A_162 {strides = array<i32>} : memref<1000x128xf32, #tpu.memory_space<vmem>>, vector<1000x128xf32>,
    return
  }
  func.func @transform_0(%arg0: i32) -> (i32, i32) {
    %c0_i32 = arith.constant 0 : i32
    %c0_i32_0 = arith.constant 0 : i32
    return %arg0, %c0_i32 : i32, i32
  }
  func.func @transform_1(%arg0: i32) -> (i32, i32) {
    %c0_i32 = arith.constant 0 : i32
    %c0_i32_0 = arith.constant 0 : i32
    return %arg0, %c0_i32 : i32, i32
  }
  func.func @transform_2(%arg0: i32) -> (i32, i32) {
    %c0_i32 = arith.constant 0 : i32
    %c0_i32_0 = arith.constant 0 : i32
    %c0_i32_1 = arith.constant 0 : i32
    return %c0_i32, %c0_i32_0 : i32, i32
  }
  func.func @transform_3(%arg0: i32) -> (i32, i32, i32) {
    %c0_i32 = arith.constant 0 : i32
    %c0_i32_0 = arith.constant 0 : i32
    %c0_i32_1 = arith.constant 0 : i32
    %c0_i32_2 = arith.constant 0 : i32
    return %c0_i32, %c0_i32_0, %c0_i32_1 : i32, i32, i32
  }
  func.func @transform_4(%arg0: i32) -> (i32, i32) {
    %c0_i32 = arith.constant 0 : i32
    %c0_i32_0 = arith.constant 0 : i32
    return %arg0, %c0_i32 : i32, i32
  }
  func.func @transform_5(%arg0: i32) -> (i32, i32) {
    %c0_i32 = arith.constant 0 : i32
    %c0_i32_0 = arith.constant 0 : i32
    return %arg0, %c0_i32 : i32, i32
  }
}

module attributes {stable_mosaic.version = 14 : i64} {
  func.func @_post_body(%arg0: i32, %arg1: memref<1000x128xf32, #tpu.memory_space<vmem>>, %arg2: memref<1000x128xf32, #tpu.memory_space<vmem>>, %arg3: memref<128x128xf32, #tpu.memory_space<vmem>>, %arg4: memref<1000x128xf32, #tpu.memory_space<vmem>>) attributes {dimension_semantics = [#tpu.dimension_semantics<arbitrary>], iteration_bounds = array<i64: 10>, scalar_prefetch = 0 : i64, scratch_operands = 0 : i64, tpu.core_type = #tpu.core_type<tc>, window_params = [{transform_indices = @transform_0, window_bounds = array<i64: 1000, 128>}, {transform_indices = @transform_1, window_bounds = array<i64: 1000, 128>}, {pipeline_mode = #tpu.pipeline_mode<synchronous>, transform_indices = @transform_2, window_bounds = array<i64: 128, 128>}, {transform_indices = @transform_3, window_bounds = array<i64: 1000, 128>}]} {
    %get3A = arith.constant 0 : index
    %get3A_0 = arith.constant 0 : index
    %get3A_1 = vector.load %arg1[%get3A, %get3A_0] : memref<1000x128xf32, #tpu.memory_space<vmem>>, vector<1000x128xf32>
    %get3A_2 = arith.constant 0 : index
    %get3A_3 = arith.constant 0 : index
    %get3A_4 = vector.load %arg2[%get3A_2, %get3A_3] : memref<1000x128xf32, #tpu.memory_space<vmem>>, vector<1000x128xf32>
    %add3A = arith.addf %get3A_1, %get3A_4 : vector<1000x128xf32>
    %get3A_5 = arith.constant 0 : index
    %get3A_6 = arith.constant 0 : index
    %get3A_7 = vector.load %arg3[%get3A_5, %get3A_6] : memref<128x128xf32, #tpu.memory_space<vmem>>, vector<128x128xf32>
    %dot_general3A = arith.constant dense<0.000000e+00> : vector<1000x128xf32>
    %dot_general3A_8 = tpu.matmul %add3A, %get3A_7, %dot_general3A {dimension_numbers = #tpu.dot_dimension_numbers<[1], [0], [0], [1], [0, 0, 1, 1], [], []>, transpose_lhs_hint = false} : vector<1000x128xf32>, vector<128x128xf32>, vector<1000x128xf32> -> vector<1000x128xf32>
    %mul3A = arith.constant 0.00276213582 : f32
    %mul3A_9 = vector.broadcast %mul3A : f32 to vector<1000x128xf32>
    %mul3A_10 = arith.mulf %dot_general3A_8, %mul3A_9 : vector<1000x128xf32>
    %swap3A = arith.constant 0 : index
    %swap3A_11 = arith.constant 0 : index
    %swap3A_12 = vector.load %arg4[%swap3A, %swap3A_11] : memref<1000x128xf32, #tpu.memory_space<vmem>>, vector<1000x128xf32>
    tpu.vector_store %arg4[%swap3A, %swap3A_11], %mul3A_10 {strides = array<i32>} : memref<1000x128xf32, #tpu.memory_space<vmem>>, vector<1000x128xf32>,
    return
  }
  func.func @transform_0(%arg0: i32) -> (i32, i32) {
    %c0_i32 = arith.constant 0 : i32
    %c0_i32_0 = arith.constant 0 : i32
    return %arg0, %c0_i32 : i32, i32
  }
  func.func @transform_1(%arg0: i32) -> (i32, i32) {
    %c0_i32 = arith.constant 0 : i32
    %c0_i32_0 = arith.constant 0 : i32
    return %arg0, %c0_i32 : i32, i32
  }
  func.func @transform_2(%arg0: i32) -> (i32, i32) {
    %c0_i32 = arith.constant 0 : i32
    %c0_i32_0 = arith.constant 0 : i32
    %c0_i32_1 = arith.constant 0 : i32
    return %c0_i32, %c0_i32_0 : i32, i32
  }
  func.func @transform_3(%arg0: i32) -> (i32, i32) {
    %c0_i32 = arith.constant 0 : i32
    %c0_i32_0 = arith.constant 0 : i32
    return %arg0, %c0_i32 : i32, i32
  }
}

</mosaic_0001>

<sc_bundles>
// kernel: kernel.7.cloned.1.call-start
scs
__scs_entry_jumppad:
0x0: {  	(pc) =	sbr.rel $0x88, $3  }
0x1: {  	(tag) =	ssettag $0x0;
	lr =	simm.s32 $0x1  }
0x2: {  	[smem:$0x3F95] =	sst lr;
	_ =	strace $0xD0000000  }
0x3: {  	_ = 	snop  }
0x4: {  	_ = 	snop  }
0x5: {  	_ = 	snop  }
0x6: {  	_ = 	snop  }
0x7: {  	_ = 	snop  }
__scs_overlays_trampoline_lowered:
0x8: {  	[smem:$0x3FA4] =	sst s0  }
0x9: {  	[smem:$0x3FA5] =	sst s1  }
0xa: {  	[smem:$0x3FA6] =	sst s2  }
0xb: {  	[smem:$0x3FA7] =	sst s3  }
0xc: {  	[smem:$0x3FA8] =	sst s4  }
0xd: {  	[smem:$0x3FA9] =	sst s5  }
0xe: {  	[smem:$0x3FAA] =	sst s6  }
0xf: {  	[smem:$0x3FAB] =	sst s7  }
0x10: {  	[smem:$0x3FAC] =	sst s8  }
0x11: {  	[smem:$0x3FAD] =	sst s9;
	s0 =	simm.s32 @!p0 $0x0  }
0x12: {  	s1 =	sld [smem:$0x3F93];
	s0 =	simm.s32 @p0 $0x1  }
0x13: {  	[smem:$0x3FAE] =	sst s0;
	s0 =	simm.s32 @!p1 $0x0  }
0x14: {  	s2 =	sld [smem:$0x3F92];
	s0 =	simm.s32 @p1 $0x1  }
0x15: {  	[smem:$0x3FAF] =	sst s0;
	s0 =	simm.s32 @!p2 $0x0  }
0x16: {  	s3 =	sld [smem:$0x3FDB];
	s0 =	simm.s32 @p2 $0x1  }
0x17: {  	s4 =	simm.s32 $0x1BF5;
	[smem:$0x3FB1] =	sst s0  }
0x18: {  	s0 =	sld [smem:$0x3F94];
	_ =	swait.ge [sflag:s4], $0x0  }
0x19: {  	s7 =	sld [smem:$0x3F95]  }
0x1a: {  	s8 =	sadd.s32 $0xFFFFE003, lr  }
0x1b: {  	s9 =	sadd.s32 $0xFFFFFEF7, lr;
	s5 =	simm.s32 $0xFFFFFFFF;
	p2 =	slt.u32 s8, $0xFFFFF086  }
0x1c: {  	p1 =	slt.u32 s9, $0xF7A;
	s5 =	simm.s32 @!p2 $0x0  }
0x1d: {  	s5 =	simm.s32 @p1 $0x1;
	p0 =	seq.s32 s7, s2  }
0x1e: {  	s7 =	smul.u32 @!p0 $0xF7A, s2;
	p2 =	seq.s32 @!p0 s5, $0x0  }
0x1f: {  	s9 =	smul.u32 $0xF7A, s1;
	s8 =	simm.s32 @!p0 $0x1BF5;
	p2 =	por !p2, p0  }
0x20: {  	[sflag:s8] =	ssyncset.s32 @!p0 $0xFFFFF086;
	s6 =	sadd.s32 @!p0 s3, s7;
	s7 =	simm.s32 @!p0 $0x108  }
0x21: {  	s3 =	sadd.s32 s3, s9;
	s6 =	sadd.s32 @!p0 $0x88, s6;
	s7 =	simm.s32 @p2 $0x1082  }
0x22: {  	[simem:s7], [sflag:s8] =	dma.local @!p0 [hbm:s6], $0xF7A  }
0x23: {  	s9 =	sor.u32 $0xD0000000, s2;
	s6 =	simm.s32 $0x108;
	_ =	swait.ge @!p0 [sflag:s8], $0x0  }
0x24: {  	s3 =	sadd.s32 $0x88, s3;
	s6 =	simm.s32 @!p1 $0x1082;
	[sflag:s4] =	ssyncset.s32 $0xFFFFF086  }
0x25: {  	[simem:s6], [sflag:s4] =	dma.local [hbm:s3], $0xF7A  }
0x26: {  	[smem:$0x3F95] =	sst s1;
	(tag) =	ssettag s2;
	_ =	strace s9  }
0x27: {  	s1 =	sld [smem:$0x3FA5]  }
0x28: {  	s2 =	sld [smem:$0x3FA6]  }
0x29: {  	s4 =	sld [smem:$0x3FA8]  }
0x2a: {  	p0 =	seq.s32 s5, $0x0;
	s5 =	sld [smem:$0x3FA9]  }
0x2b: {  	s6 =	sld [smem:$0x3FAA]  }
0x2c: {  	s7 =	sld [smem:$0x3FAB]  }
0x2d: {  	s3 =	simm.s32 $0x108;
	s8 =	sld [smem:$0x3FAC]  }
0x2e: {  	s3 =	simm.s32 @!p0 $0x1082;
	s9 =	sld [smem:$0x3FAD]  }
0x2f: {  	lr =	sadd.s32 s0, s3;
	s0 =	sld [smem:$0x3FA4]  }
0x30: {  	s3 =	sld [smem:$0x3FA7]  }
0x31: {  	[smem:$0x3FB0] =	sst s10  }
0x32: {  	s10 =	sld [smem:$0x3FAE];
	_ =	sdelay $0x3  }
0x33: {  	p0 =	seq.s32 s10, $0x1;
	s10 =	sld [smem:$0x3FB0];
	_ =	sdelay $0x3  }
0x34: {  	[smem:$0x3FB0] =	sst s10  }
0x35: {  	s10 =	sld [smem:$0x3FAF];
	_ =	sdelay $0x3  }
0x36: {  	p1 =	seq.s32 s10, $0x1;
	s10 =	sld [smem:$0x3FB0];
	_ =	sdelay $0x3  }
0x37: {  	[smem:$0x3FB0] =	sst s10  }
0x38: {  	s10 =	sld [smem:$0x3FB1]  }
0x39: {  	_ = 	snop;
	(pc) =	sbr.ind lr, $3  }
0x3a: {  	_ = 	snop  }
0x3b: {  	_ = 	snop  }
0x3c: {  	p2 =	seq.s32 s10, $0x1;
	s10 =	sld [smem:$0x3FB0]  }
0x3d: {  	_ =	shalt  }
0x3e: {  	_ =	shalt  }
0x3f: {  	_ =	shalt  }
0x40: {  	_ =	shalt  }
0x41: {  	_ =	shalt  }
0x42: {  	_ =	shalt  }
0x43: {  	_ =	shalt  }
0x44: {  	_ =	shalt  }
0x45: {  	_ =	shalt  }
0x46: {  	_ =	shalt  }
0x47: {  	_ =	shalt  }
0x48: {  	_ =	shalt  }
0x49: {  	_ =	shalt  }
0x4a: {  	_ =	shalt  }
0x4b: {  	_ =	shalt  }
0x4c: {  	_ =	shalt  }
0x4d: {  	_ =	shalt  }
0x4e: {  	_ =	shalt  }
0x4f: {  	_ =	shalt  }
0x50: {  	_ =	shalt  }
0x51: {  	_ =	shalt  }
0x52: {  	_ =	shalt  }
0x53: {  	_ =	shalt  }
0x54: {  	_ =	shalt  }
0x55: {  	_ =	shalt  }
0x56: {  	_ =	shalt  }
0x57: {  	_ =	shalt  }
0x58: {  	_ =	shalt  }
0x59: {  	_ =	shalt  }
0x5a: {  	_ =	shalt  }
0x5b: {  	_ =	shalt  }
0x5c: {  	_ =	shalt  }
0x5d: {  	_ =	shalt  }
0x5e: {  	_ =	shalt  }
0x5f: {  	_ =	shalt  }
0x60: {  	_ =	shalt  }
0x61: {  	_ =	shalt  }
0x62: {  	_ =	shalt  }
0x63: {  	_ =	shalt  }
0x64: {  	_ =	shalt  }
0x65: {  	_ =	shalt  }
0x66: {  	_ =	shalt  }
0x67: {  	_ =	shalt  }
0x68: {  	_ =	shalt  }
0x69: {  	_ =	shalt  }
0x6a: {  	_ =	shalt  }
0x6b: {  	_ =	shalt  }
0x6c: {  	_ =	shalt  }
0x6d: {  	_ =	shalt  }
0x6e: {  	_ =	shalt  }
0x6f: {  	_ =	shalt  }
0x70: {  	_ =	shalt  }
0x71: {  	_ =	shalt  }
0x72: {  	_ =	shalt  }
0x73: {  	_ =	shalt  }
0x74: {  	_ =	shalt  }
0x75: {  	_ =	shalt  }
0x76: {  	_ =	shalt  }
0x77: {  	_ =	shalt  }
0x78: {  	_ =	shalt  }
0x79: {  	_ =	shalt  }
0x7a: {  	_ =	shalt  }
0x7b: {  	_ =	shalt  }
0x7c: {  	_ =	shalt  }
0x7d: {  	_ =	shalt  }
0x7e: {  	_ =	shalt  }
0x7f: {  	_ =	shalt  }
0x80: {  	_ =	shalt  }
0x81: {  	_ =	shalt  }
0x82: {  	_ =	shalt  }
0x83: {  	_ =	shalt  }
0x84: {  	_ =	shalt  }
0x85: {  	_ =	shalt  }
0x86: {  	_ =	shalt  }
0x87: {  	_ =	shalt  }
.Lfunc_end0:
.L_simem_size_0:
called_computation_lowered:
.L_overlay_start_0:
0x88: {  	s2 =	sld [smem:$0x3FD9]  }
0x89: {  	s3 =	sld [smem:$0x3FFE];
	_ =	sdelay $0x1  }
0x8a: {  	s1 =	srdreg.scid  }
0x8b: {  	s0 =	sand.u32 $0x1, s1  }
0x8c: {  	s14 =	sshll.u32 s0, $0xA;
	s2 =	sadd.s32 s3, s2  }
0x8d: {  	s2 =	sadd.s32 s2, s14  }
0x8e: {  	[smem:$0x3FBC] =	sst s2  }
0x8f: {  	_ = 	snop  }
0x90: {  	s2 =	sld [smem:$0x3FD0];
	_ =	sdelay $0x2  }
0x91: {  	s15 =	simm.s32 $0xA;
	s4 =	simm.s32 $0x10  }
0x92: {  	[smem:s4], [sflag:s15] =	dma.local [hbm:s2], $0x1  }
0x93: {  	_ =	swait.eq [sflag:s15], $0x1  }
0x94: {  	[sflag:s15] =	ssyncset.done $0x0  }
0x95: {  	[sflag:s15] =	ssyncadd.s32 $0xFFFFFFFF  }
0x96: {  	s16 =	sld [smem:$0x10];
	(tm) =	ssettm $0x1  }
0x97: {  	s17 =	sld [smem:$0x3FFB];
	_ =	sdelay $0x3  }
0x98: {  	_ =	strace s17  }
0x99: {  	s3 =	sld [smem:$0x3FFC];
	_ =	sdelay $0x3  }
0x9a: {  	_ =	strace s3  }
0x9b: {  	s3 =	sld [smem:$0x3FFD];
	_ =	sdelay $0x3  }
0x9c: {  	_ =	strace s3  }
0x9d: {  	_ =	strace $0x8FFFFFFF  }
0x9e: {  	s18 =	sld [smem:$0x3FDB];
	_ =	sdelay $0x1  }
0x9f: {  	s19 =	simm.s32 $_scs_section_size  }
0xa0: {  	s5 =	simm.s32 $_size__tile_overlayer_lowered;
	s6 =	simm.s32 $_tile_overlayer_lowered  }
0xa1: {  	s22 =	simm.s32 $0x1BFF;
	s21 =	sshll.u32 s6, $0x1;
	s3 =	sadd.s32 s19, s18  }
0xa2: {  	s7 =	simm.s32 $0x0;
	s20 =	sshll.u32 s5, $0x1;
	s5 =	sadd.s32 s21, s3  }
0xa3: {  	[timem:s7], [sflag:s22] =	dma.local [hbm:s5], s20  }
0xa4: {  	_ =	swait.ge [sflag:s22], s20  }
0xa5: {  	s4 =	ssub.s32 $0x0, s20;
	[sflag:s22] =	ssyncset.done $0x0  }
0xa6: {  	[sflag:s22] =	ssyncadd.s32 s4;
	_ =	sdelay $0x1  }
0xa7: {  	s23 =	simm.s32 $0x1B8B  }
0xa8: {  	_ =	swait.ge [sflag:s23], $0x1  }
0xa9: {  	[sflag:s23] =	ssyncset.done $0x0  }
0xaa: {  	s25 =	simm.s32 $0x1B8E;
	s24 =	sld [smem:$0x3FFE];
	[sflag:s23] =	ssyncadd.s32 $0xFFFFFFFF  }
0xab: {  	s26 =	simm.s32 $execute0_lowered;
	[smem:$0x3FD2] =	sst s25  }
0xac: {  	s5 =	sshll.u32 s26, $0x1;
	_ =	strace $0x80000046;
	[dreg:$0x1] =	wrdreg $0xFFFFFFFF  }
0xad: {  	s28 =	simm.s32 $_size_execute0_lowered;
	s3 =	sadd.s32 s3, s5;
	[dreg:$0x0] =	wrdreg $0x0  }
0xae: {  	s5 =	sshll.u32 s28, $0x1;
	[dreg:$0x2] =	wrdreg s3  }
0xaf: {  	[dreg:$0x3] =	wrdreg s5  }
0xb0: {  	[dreg:$0x4] =	wrdreg $0xC0  }
0xb1: {  	_ =	task [dreg:s7], $0x5FFFF  }
0xb2: {  	[dreg:$0x1] =	wrdreg $0xFFFFFFFF  }
0xb3: {  	[dreg:$0x0] =	wrdreg $0x60  }
0xb4: {  	[dreg:$0x2] =	wrdreg s16  }
0xb5: {  	[dreg:$0x3] =	wrdreg s24  }
0xb6: {  	[dreg:$0x4] =	wrdreg $0x51000  }
0xb7: {  	[dreg:$0x5] =	wrdreg $0x9  }
0xb8: {  	_ =	task.clear_ibuf [dreg:s7], $0x6FFFF;
	_ =	strace $0x90000046  }
0xb9: {  	s29 =	simm.s32 $0x9;
	_ =	strace $0x80000048  }
0xba: {  	_ =	swait.ge [sflag:s29], $0x1  }
0xbb: {  	[sflag:s29] =	ssyncadd.s32 $0xFFFFFFFF  }
0xbc: {  	_ =	strace $0x90000048  }
0xbd: {  	_ =	sfence  }
0xbe: {  	s30 =	sld [smem:$0x0];
	_ =	sdelay $0x2  }
0xbf: {  	s31 =	sshll.u32 s1, $0xD;
	s1 =	sshrl.u32 s1, $0x2  }
0xc0: {  	s3 =	sand.u32 $0x4000, s31;
	s1 =	sadd.s32 s1, s30  }
0xc1: {  	s0 =	sor.u32 s3, s0;
	s1 =	sshll.u32 s1, $0x11  }
0xc2: {  	s0 =	sor.u32 s1, s0  }
0xc3: {  	s0 =	sadd.s32 $0x8F2B, s0  }
0xc4: {  	[sflag:s0] =	ssyncadd.remote.s32 $0x1  }
0xc5: {  	_ =	sfence.sel $0xFFFF  }
0xc6: {  	[dreg:$0x0] =	wrdreg $0xFFFFFFFF;
	(pc) =	sbr.abs _section_cstart, $3  }
0xc7: {  	[dreg:$0x1] =	wrdreg $0xFFFFFFFF  }
0xc8: {  	_ =	task.clear_ibuf [dreg:s7], $0x2FFFF;
	_ =	strace $0x9FFFFFFF  }
0xc9: {  	(tm) =	ssettm $0x7FFFFFFF  }
tec
execute0_lowered:
.L_overlay_start_1:
0x0: {  	(tag) =	ssettag $0x1  }
0x1: {  	s1 =	rddreg [dreg:$0x0]  }
0x2: {  	s8 =	rddreg [dreg:$0x1]  }
0x3: {  	s3 =	rddreg [dreg:$0x2]  }
0x4: {  	s0 =	rddreg [dreg:$0x3]  }
0x5: {  	s4 =	simm.s32 $0x0;
	s2 =	stileid.u32;
	s5 =	srdreg.scid  }
0x6: {  	s15 =	simm.s32 $0x80;
	s16 =	simm.s32 $0x2900;
	s17 =	simm.s32 $0x50  }
0x7: {  	s18 =	simm.s32 $0x100;
	s19 =	simm.s32 $0x1;
	[smem:$0x7FF] =	sst s4  }
0x8: {  	s9 =	smul.u32 $0x2800, s2;
	s10 =	sand.u32 $0x1, s5;
	s5 =	sadd.s32 $0x9DA000, s8  }
0x9: {  	s24 =	simm.s32 $0x0;
	s6 =	sadd.s32 $0x9D0200, s8;
	s7 =	sadd.s32 $0x9C6400, s8  }
0xa: {  	s13 =	smul.u32 $0x50000, s2;
	s30 =	sshll.u32 s2, $0x1;
	s31 =	sshll.u32 s2, $0x6  }
0xb: {  	_ =	strace $0x80000047;
	s11 =	smul.u32 $0x28000, s10;
	s12 =	ssub.s32 $0x2, s10  }
0xc: {  	s10 =	sor.u32 s10, s30;
	s28 =	sshrl.u32 s12, $0x1;
	s29 =	sshrl.u32 s13, $0x2  }
0xd: {  	s10 =	smul.u32 $0x2710, s10;
	s11 =	sadd.s32 s9, s11;
	s9 =	sadd.s32 s9, s8  }
0xe: {  	s12 =	ssub.s32 s12, s28;
	s14 =	sadd.s32 s29, s3;
	s11 =	sadd.s32 s11, s8  }
0xf: {  	s8 =	sadd.s32 $0x2400, s9;
	s9 =	sor.u32 $0x1C02, s31;
	s12 =	smax.u32 s12, $0x1  }
0x10: {  	s13 =	sshrl.u32 s14, $0x3;
	s14 =	simm.s32 $0x2;
	s11 =	sadd.s32 $0x2A400, s11  }
.LBB2_1:
0x11: {  	[spmem:s13], [sflag:s9] =	dma.local [hbm:s8], $0x2800  }
0x12: {  	_ =	swait.ge [sflag:s14], $0x2800  }
0x13: {  	[sflag:s14] =	ssyncset.done $0x0  }
0x14: {  	[sflag:s14] =	ssyncadd.s32 $0xFFFFD800  }
0x15: {  	s20 =	simm.s32 $0x0;
	[bflag:$0x0] =	sbarrier.arrive $0xFFFF  }
.LBB2_2:
0x16: {  	s21 =	smul.u32 $0x50, s20;
	_ =	sdelay $0x1  }
0x17: {  	s21 =	sadd.s32 s10, s21  }
0x18: {  	s22 =	sshrl.u32 s21, $0x3  }
0x19: {  	s23 =	sadd.s32 s6, s22  }
0x1a: {  	[tilespmem:s24], [sflag:$0x2] =	stream.linear.gather [hbm4b:s23+s24], $0x50, $0x38;
	[tilespmem:$0x19100] =	vst v63  }
0x1b: {  	_ =	swait.ge [sflag:s14], $0x50  }
0x1c: {  	[sflag:s14] =	ssyncset.done $0x0  }
0x1d: {  	s22 =	sadd.s32 s7, s22;
	[sflag:s14] =	ssyncadd.s32 $0xFFFFFFB0  }
0x1e: {  	[tilespmem:s15], [sflag:$0x2] =	stream.linear.gather [hbm4b:s22+s24], $0x50, $0x38;
	[tilespmem:$0x19100] =	vst v63  }
0x1f: {  	_ =	swait.ge [sflag:s14], $0x50  }
0x20: {  	s21 =	sshll.u32 s21, $0x4;
	[sflag:s14] =	ssyncset.done $0x0  }
0x21: {  	s21 =	sadd.s32 s5, s21;
	[sflag:s14] =	ssyncadd.s32 $0xFFFFFFB0  }
0x22: {  	[tilespmem:s16], [sflag:$0x2] =	stream.linear.gather [hbm4b:s21+s24], $0x2800, $0x38;
	[tilespmem:$0x19100] =	vst v63  }
0x23: {  	_ =	swait.ge [sflag:s14], $0x2800  }
0x24: {  	[sflag:s14] =	ssyncset.done $0x0  }
0x25: {  	[sflag:s14] =	ssyncadd.s32 $0xFFFFD800  }
0x26: {  	[tilespmem:s18], [sflag:$0x1] =	stream.indirect.gather [hbm4b:s1+s17], $0x80, s24, s17, $0xb8;
	[tilespmem:$0x19100] =	vst v63  }
0x27: {  	_ =	swait.ge [sflag:s19], $0x2800  }
0x28: {  	[sflag:s19] =	ssyncset.done $0x0  }
0x29: {  	s21 =	simm.s32 $0x0;
	[sflag:s19] =	ssyncadd.s32 $0xFFFFD800  }
0x2a: {  	v7 =	vld [tilespmem:s21+$0x2900]  }
0x2b: {  	v11 =	vld [tilespmem:s21+$0x2910]  }
0x2c: {  	v5 =	vld [tilespmem:s21+$0x2920]  }
0x2d: {  	v4 =	vld [tilespmem:s21+$0x2930]  }
0x2e: {  	v3 =	vld [tilespmem:s21+$0x2940]  }
0x2f: {  	v2 =	vld [tilespmem:s21+$0x2950]  }
0x30: {  	v1 =	vld [tilespmem:s21+$0x2960]  }
0x31: {  	v0 =	vld [tilespmem:s21+$0x2970]  }
0x32: {  	v12 =	vld [tilespmem:s21+$0x100]  }
0x33: {  	v13 =	vld [tilespmem:s21+$0x110]  }
0x34: {  	v10 =	vld [tilespmem:s21+$0x120]  }
0x35: {  	v9 =	vld [tilespmem:s21+$0x130]  }
0x36: {  	v8 =	vld [tilespmem:s21+$0x140]  }
0x37: {  	v6 =	vld [tilespmem:s21+$0x150];
	v12 =	vmul.f32 v7, v12  }
0x38: {  	s22 =	simm.s32 $0x200;
	v11 =	vmul.f32 v11, v13;
	v7 =	vld [tilespmem:s21+$0x160]  }
.LBB2_3:
0x39: {  	s23 =	sshra.s32 s22, $0x2;
	p0 =	sne.s32 s22, $0x9E00;
	[tilespmem:s21+$0x100] =	vst v12;
	v5 =	vmul.f32 v5, v10;
	v10 =	vld [tilespmem:s21+$0x170]  }
0x3a: {  	v12 =	vld [tilespmem:s23+$0x2900];
	[tilespmem:s21+$0x110] =	vst v11;
	v4 =	vmul.f32 v4, v9  }
0x3b: {  	v11 =	vld [tilespmem:s23+$0x2910];
	[tilespmem:s21+$0x120] =	vst v5;
	v3 =	vmul.f32 v3, v8  }
0x3c: {  	v5 =	vld [tilespmem:s23+$0x2920];
	[tilespmem:s21+$0x130] =	vst v4;
	v2 =	vmul.f32 v2, v6  }
0x3d: {  	v4 =	vld [tilespmem:s23+$0x2930];
	[tilespmem:s21+$0x140] =	vst v3;
	v1 =	vmul.f32 v1, v7  }
0x3e: {  	v3 =	vld [tilespmem:s23+$0x2940];
	[tilespmem:s21+$0x150] =	vst v2;
	v0 =	vmul.f32 v0, v10  }
0x3f: {  	v2 =	vld [tilespmem:s23+$0x2950];
	[tilespmem:s21+$0x160] =	vst v1  }
0x40: {  	v1 =	vld [tilespmem:s23+$0x2960];
	[tilespmem:s21+$0x170] =	vst v0;
	s21 =	smov.u32 s23  }
0x41: {  	v0 =	vld [tilespmem:s21+$0x2970]  }
0x42: {  	v6 =	vld [tilespmem:s21+$0x100]  }
0x43: {  	v7 =	vld [tilespmem:s21+$0x110]  }
.Ltmp0:
0x44: {  	v10 =	vld [tilespmem:s21+$0x120];
	(pc) =	sbr.rel @p0 .LBB2_3-.Ltmp0, $4  }
0x45: {  	v9 =	vld [tilespmem:s21+$0x130]  }
0x46: {  	v8 =	vld [tilespmem:s21+$0x140]  }
0x47: {  	v12 =	vmul.f32 v12, v6;
	v6 =	vld [tilespmem:s21+$0x150]  }
0x48: {  	s22 =	sadd.s32 $0x200, s22;
	v11 =	vmul.f32 v11, v7;
	v7 =	vld [tilespmem:s21+$0x160]  }
0x49: {  	[tilespmem:s21+$0x100] =	vst v12;
	v5 =	vmul.f32 v5, v10;
	v63 =	vld [tilespmem:s21+$0x170]  }
0x4a: {  	[tilespmem:s21+$0x110] =	vst v11;
	v4 =	vmul.f32 v4, v9  }
0x4b: {  	[tilespmem:s21+$0x120] =	vst v5;
	v3 =	vmul.f32 v3, v8  }
0x4c: {  	[tilespmem:s21+$0x130] =	vst v4;
	v2 =	vmul.f32 v2, v6  }
0x4d: {  	[tilespmem:s21+$0x140] =	vst v3;
	v1 =	vmul.f32 v1, v7  }
0x4e: {  	s20 =	sadd.s32 $0x1, s20;
	[tilespmem:s21+$0x150] =	vst v2;
	v0 =	vmul.f32 v0, v63  }
0x4f: {  	p0 =	sne.s32 s20, $0x7D;
	[tilespmem:s21+$0x160] =	vst v1  }
.Ltmp1:
0x50: {  	[tilespmem:s21+$0x170] =	vst v0;
	(pc) =	sbr.rel @p0 .LBB2_2-.Ltmp1, $4  }
0x51: {  	[spmem:s3] =	stream.indirect.scatter.add.f32 [tilespmem:s18], [sflag:$0x2], $0x80, s15, s17, $0xb8;
	[tilespmem:$0x19100] =	vst v63  }
0x52: {  	_ =	swait.ge [sflag:s14], $0x2800  }
0x53: {  	[sflag:s14] =	ssyncset.done $0x0  }
0x54: {  	[sflag:s14] =	ssyncadd.s32 $0xFFFFD800  }
0x55: {  	s4 =	sadd.s32 $0x1, s4  }
0x56: {  	p0 =	sne.s32 s4, s12  }
.Ltmp2:
0x57: {  	[bflag:$0x0] =	sbarrier.arrive $0xFFFF;
	(pc) =	sbr.rel @p0 .LBB2_1-.Ltmp2, $4  }
0x58: {  	[hbm:s11], [sflag:s9] =	dma.local [spmem:s13], $0x2800  }
0x59: {  	_ =	swait.ge [sflag:s14], $0x2800  }
0x5a: {  	[sflag:s14] =	ssyncset.done $0x0  }
0x5b: {  	[sflag:s14] =	ssyncadd.s32 $0xFFFFD800  }
0x5c: {  	_ =	sfence.sel $0x180000  }
0x5d: {  	[bflag:$0x0] =	sbarrier.arrive $0xFFFF  }
0x5e: {  	p0 =	sne.s32 s2, $0x0;
	_ =	strace $0x90000047  }
0x5f: {  	s0 =	sadd.s32 @!p0 $0x100000, s0;
	[bflag:$0x2] =	sbarrier.arrive $0xFFFF  }
0x60: {  	[sflag:s0] =	ssyncadd.tile.s32 @!p0 $0x1;
	_ =	shalt  }
.Lfunc_end2:
_tile_overlayer_lowered:
.L_overlay_start_2:
0x61: {  	(tag) =	ssettag $0x2  }
0x62: {  	s0 =	rddreg [dreg:$0x0];
	s2 =	stileid.u32  }
0x63: {  	s1 =	rddreg [dreg:$0x1];
	p0 =	sne.s32 s2, $0x0  }
0x64: {  	s3 =	rddreg [dreg:$0x2];
	[bflag:$0x3] =	sbarrier.arrive $0xFFFF;
	s2 =	simm.s32 @!p0 $0x1C02  }
0x65: {  	[timem:s3], [sflag:s2] =	dma.local @!p0 [hbm:s0], s1  }
0x66: {  	s0 =	simm.s32 @!p0 $0x2  }
0x67: {  	_ =	swait.ge @!p0 [sflag:s0], s1  }
0x68: {  	s1 =	ssub.s32 @!p0 $0x0, s1;
	[sflag:s0] =	ssyncset.done @!p0 $0x0  }
0x69: {  	[sflag:s0] =	ssyncadd.s32 @!p0 s1  }
0x6a: {  	[bflag:$0x3] =	sbarrier.arrive $0xFFFF  }
0x6b: {  	_ =	shalt  }

</sc_bundles>
